<compile_context>
chip_gen: v7x
topology: tpu7x:2x2x1
jax: 0.10.2.dev20260603
libtpu: 0.0.44.dev20260713+nightly
codegen_flags: <defaults>
</compile_context>

<pallas_src>
import functools
import jax
import jax.numpy as jnp
from jax import lax
from jax.experimental import pallas as pl
from jax.experimental.pallas import tpu as pltpu
from jax.experimental.pallas import tpu_sc as plsc

_NQ = 10000
_E = 160000
_D = 128
_L = 32
_ROW = 136
_QROW = 256
_QW = 200
_NWIN = _NQ // _QW
_C = 1600
_NCK = _E // _C
_TMAX = _NCK + _NWIN
_CH = 128
_NCH = _E // _CH
_NW = 32
_BQ = 1000


def _qtab_body(qf_ref, qx_ref, wq_ref, out_ref):
    q = jnp.dot(qf_ref[...], wq_ref[...], preferred_element_type=jnp.float32)
    out_ref[...] = jnp.concatenate(
        [q, qx_ref[...], jnp.zeros((q.shape[0], _QROW - _D - 16), jnp.float32)],
        axis=1)


def _gather_body(srcf, srcx, esrc, gf, gx, idx_s, fbuf, xbuf, sem):
    c = lax.axis_index("c")
    s = lax.axis_index("s")
    wid = s * 2 + c
    nloop = (_NCH + _NW - 1) // _NW

    def body(i, carry):
        chunk = wid + i * _NW

        @pl.when(chunk < _NCH)
        def _():
            base = chunk * _CH
            pltpu.sync_copy(esrc.at[pl.ds(base, _CH)], idx_s)
            pltpu.async_copy(srcf.at[idx_s], fbuf, sem).wait()
            pltpu.async_copy(srcx.at[idx_s], xbuf, sem).wait()
            pltpu.sync_copy(fbuf, gf.at[pl.ds(base, _CH)])
            pltpu.sync_copy(xbuf, gx.at[pl.ds(base, _CH)])
        return carry

    lax.fori_loop(0, nloop, body, 0)


def _chunk_body(win_ref, cb_ref, msk_ref, gf_ref, gx_ref, qtab_ref,
                ed_ref, wpre_ref, bpre_ref, cen_ref, wgate_ref, wsh0_ref,
                wshp_ref, wk_ref, wv_ref, a_ref, s_ref, out_ref, *, gamma):
    t = pl.program_id(0)
    w = win_ref[t]
    edc = ed_ref[...].reshape(1, _C)
    rowid = w * _QW + lax.broadcasted_iota(jnp.int32, (_QW, 1), 0)
    oht = (edc == rowid).astype(jnp.float32)
    gqc = lax.dot_general(oht, qtab_ref[...], (((0,), (0,)), ((), ())),
                          preferred_element_type=jnp.float32)
    qrow = gqc[:, 0:128]
    qx = gqc[:, 128:144]
    gf = gf_ref[...]
    gx = gx_ref[:, 0:16]
    rel = gx - qx
    l2 = jnp.sum(rel * rel, axis=1, keepdims=True) + 1e-12
    length = jnp.sqrt(l2)
    dd = length - cen_ref[...]
    rbf = jnp.exp((-gamma) * dd * dd)
    pre = jnp.dot(rbf, wpre_ref[...], preferred_element_type=jnp.float32) + bpre_ref[...]
    scal = pre * jax.nn.sigmoid(pre)
    gate = jnp.dot(scal, wgate_ref[...], preferred_element_type=jnp.float32)
    inv = 1.7320508075688772 / length
    shw = wsh0_ref[...] + inv * jnp.dot(rel, wshp_ref[...],
                                        preferred_element_type=jnp.float32)
    m = gf * gate + shw
    k = jnp.dot(m, wk_ref[...], preferred_element_type=jnp.float32)
    v = jnp.dot(m, wv_ref[...], preferred_element_type=jnp.float32)
    feat = qrow + k
    feat = jnp.where(feat >= 0, feat, 0.2 * feat)
    logits = jnp.dot(feat, a_ref[...], preferred_element_type=jnp.float32)
    ex = jnp.exp(logits)
    exb = jnp.dot(ex, s_ref[...], preferred_element_type=jnp.float32)
    exv = v * exb

    mskf = msk_ref[t].astype(jnp.float32)
    pv = jnp.dot(oht, exv, preferred_element_type=jnp.float32) * mskf
    pe = jnp.dot(oht, ex, preferred_element_type=jnp.float32) * mskf
    partial = jnp.concatenate([pv, pe], axis=1)

    tp = jnp.maximum(t - 1, 0)
    first = jnp.logical_or(t == 0, win_ref[t] != win_ref[tp])

    @pl.when(first)
    def _():
        out_ref[...] = partial

    @pl.when(jnp.logical_not(first))
    def _():
        out_ref[...] = out_ref[...] + partial


def _final_body(a1_ref, a2_ref, qf_ref, wo_ref, s_ref, out_ref):
    a1 = a1_ref[...]
    a2 = a2_ref[...]
    numer = a1[:, 0:128] + a2[:, 0:128]
    den = a1[:, 128:136] + a2[:, 128:136]
    denb = jnp.dot(den, s_ref[...], preferred_element_type=jnp.float32) + 1e-9
    agg = numer / denb
    out_ref[...] = jnp.dot(agg, wo_ref[...],
                           preferred_element_type=jnp.float32) + qf_ref[...]


def _sc_mesh():
    return plsc.VectorSubcoreMesh(core_axis_name="c", subcore_axis_name="s",
                                  num_cores=2, num_subcores=16)


def _schedule(edst):
    qs = jnp.arange(0, _NQ + 1, _QW, dtype=jnp.int32)
    s = jnp.searchsorted(edst, qs).astype(jnp.int32)
    lo = s[:-1] // _C
    hi = -(-s[1:] // _C)
    n = jnp.maximum(hi - lo, 1)
    first = jnp.concatenate([jnp.zeros((1,), jnp.int32),
                             jnp.cumsum(n)[:-1].astype(jnp.int32)])
    win = jnp.repeat(jnp.arange(_NWIN, dtype=jnp.int32), n,
                     total_repeat_length=_TMAX)
    j = jnp.arange(_TMAX, dtype=jnp.int32) - first[win]
    msk = (j < n[win]).astype(jnp.int32)
    cb = jnp.clip(lo[win] + j, 0, _NCK - 1).astype(jnp.int32)
    return win, cb, msk


def kernel(query_x, query_f, src_x1, src_f1, src_x2, src_f2,
           edge_src1, edge_dst1, edge_src2, edge_dst2,
           Wpre1, bpre1, Wpre2, bpre2, W_gate, W_sh, Wq, Wk, Wv, Wo, a_vec):
    f32 = jnp.float32
    qx16 = jnp.pad(query_x, ((0, 0), (0, 13)))
    sx1 = jnp.pad(src_x1, ((0, 0), (0, _D - 3)))
    sx2 = jnp.pad(src_x2, ((0, 0), (0, _D - 3)))
    ed3d1 = edge_dst1.reshape(_NCK, 1, _C)
    ed3d2 = edge_dst2.reshape(_NCK, 1, _C)
    wsh0 = W_sh[0:1, :]
    wshp = jnp.pad(W_sh[1:4, :], ((0, 13), (0, 0)))
    amat = (a_vec[:, :, None] * jnp.eye(4, dtype=f32)[:, None, :]).reshape(_D, 4)
    amat = jnp.pad(amat, ((0, 0), (0, 4)))
    smat = jnp.pad(jnp.repeat(jnp.eye(4, dtype=f32), 32, axis=1),
                   ((0, 4), (0, 0)))
    cen1 = jnp.linspace(0.0, 0.5, _L, dtype=f32).reshape(1, _L)
    cen2 = jnp.linspace(0.0, 1.0, _L, dtype=f32).reshape(1, _L)
    g1 = (_L / 0.5) ** 2
    g2 = (_L / 1.0) ** 2
    bp1 = bpre1.reshape(1, _L)
    bp2 = bpre2.reshape(1, _L)
    sched1 = _schedule(edge_dst1)
    sched2 = _schedule(edge_dst2)

    qtab = pl.pallas_call(
        _qtab_body,
        grid=(_NQ // _BQ,),
        in_specs=[
            pl.BlockSpec((_BQ, _D), lambda i: (i, 0)),
            pl.BlockSpec((_BQ, 16), lambda i: (i, 0)),
            pl.BlockSpec((_D, _D), lambda i: (0, 0)),
        ],
        out_specs=pl.BlockSpec((_BQ, _QROW), lambda i: (i, 0)),
        out_shape=jax.ShapeDtypeStruct((_NQ, _QROW), f32),
    )(query_f, qx16, Wq)

    gather = functools.partial(
        pl.kernel,
        _gather_body,
        out_type=[
            jax.ShapeDtypeStruct((_E, _D), f32),
            jax.ShapeDtypeStruct((_E, _D), f32),
        ],
        mesh=_sc_mesh(),
        scratch_types=[
            pltpu.VMEM((_CH,), jnp.int32),
            pltpu.VMEM((_CH, _D), f32),
            pltpu.VMEM((_CH, _D), f32),
            pltpu.SemaphoreType.DMA,
        ],
    )()
    gf1, gx1 = gather(src_f1, sx1, edge_src1)
    gf2, gx2 = gather(src_f2, sx2, edge_src2)

    def p2_call(sched, gf, gx, ed3d, wpre, bp, cen, gamma):
        win, cb, msk = sched
        grid_spec = pltpu.PrefetchScalarGridSpec(
            num_scalar_prefetch=3,
            grid=(_TMAX,),
            in_specs=[
                pl.BlockSpec((_C, _D), lambda t, w, c, m: (c[t], 0)),
                pl.BlockSpec((_C, _D), lambda t, w, c, m: (c[t], 0)),
                pl.BlockSpec((_QW, _QROW), lambda t, w, c, m: (w[t], 0)),
                pl.BlockSpec((1, 1, _C), lambda t, w, c, m: (c[t], 0, 0)),
                pl.BlockSpec((_L, _L), lambda t, w, c, m: (0, 0)),
                pl.BlockSpec((1, _L), lambda t, w, c, m: (0, 0)),
                pl.BlockSpec((1, _L), lambda t, w, c, m: (0, 0)),
                pl.BlockSpec((_L, _D), lambda t, w, c, m: (0, 0)),
                pl.BlockSpec((1, _D), lambda t, w, c, m: (0, 0)),
                pl.BlockSpec((16, _D), lambda t, w, c, m: (0, 0)),
                pl.BlockSpec((_D, _D), lambda t, w, c, m: (0, 0)),
                pl.BlockSpec((_D, _D), lambda t, w, c, m: (0, 0)),
                pl.BlockSpec((_D, 8), lambda t, w, c, m: (0, 0)),
                pl.BlockSpec((8, _D), lambda t, w, c, m: (0, 0)),
            ],
            out_specs=pl.BlockSpec((_QW, _ROW), lambda t, w, c, m: (w[t], 0)),
        )
        return pl.pallas_call(
            functools.partial(_chunk_body, gamma=gamma),
            grid_spec=grid_spec,
            out_shape=jax.ShapeDtypeStruct((_NQ, _ROW), f32),
        )(win, cb, msk, gf, gx, qtab, ed3d, wpre, bp, cen, W_gate, wsh0,
          wshp, Wk, Wv, amat, smat)

    acc1 = p2_call(sched1, gf1, gx1, ed3d1, Wpre1, bp1, cen1, g1)
    acc2 = p2_call(sched2, gf2, gx2, ed3d2, Wpre2, bp2, cen2, g2)

    out = pl.pallas_call(
        _final_body,
        grid=(_NQ // _BQ,),
        in_specs=[
            pl.BlockSpec((_BQ, _ROW), lambda i: (i, 0)),
            pl.BlockSpec((_BQ, _ROW), lambda i: (i, 0)),
            pl.BlockSpec((_BQ, _D), lambda i: (i, 0)),
            pl.BlockSpec((_D, _D), lambda i: (0, 0)),
            pl.BlockSpec((8, _D), lambda i: (0, 0)),
        ],
        out_specs=pl.BlockSpec((_BQ, _D), lambda i: (i, 0)),
        out_shape=jax.ShapeDtypeStruct((_NQ, _D), f32),
    )(acc1, acc2, query_f, Wo, smat)
    return out

# --- scband reference (transcript-rebuilt; emitter-appended) ---
"""Pipeline reference for scband-multiscale-tensor-field-32478542692887 (READ-ONLY COPY).

The authoritative reference and input builder live on the scoring server;
editing this copy changes nothing except your own understanding.
"""

import jax, jax.numpy as jnp
import numpy as np

Nq = 10000; N1 = 50000; N2 = 50000; E = 160000
D = 128; H = 4; DH = 32; L = 32
RC = (0.5, 1.0)


def setup_inputs(seed: int = 0):
    key = jax.random.key(seed)
    ks = jax.random.split(key, 24)
    inp = {}
    inp['query_x'] = jax.random.normal(ks[0], (Nq, 3), dtype=jnp.float32)
    inp['query_f'] = jax.random.normal(ks[1], (Nq, D), dtype=jnp.float32)
    inp['src_x1'] = jax.random.normal(ks[2], (N1, 3), dtype=jnp.float32)
    inp['src_f1'] = jax.random.normal(ks[3], (N1, D), dtype=jnp.float32)
    inp['src_x2'] = jax.random.normal(ks[4], (N2, 3), dtype=jnp.float32)
    inp['src_f2'] = jax.random.normal(ks[5], (N2, D), dtype=jnp.float32)
    inp['edge_src1'] = jax.random.randint(ks[6], (E,), 0, N1, dtype=jnp.int32)
    inp['edge_dst1'] = jnp.sort(jax.random.randint(ks[7], (E,), 0, Nq, dtype=jnp.int32))
    inp['edge_src2'] = jax.random.randint(ks[8], (E,), 0, N2, dtype=jnp.int32)
    inp['edge_dst2'] = jnp.sort(jax.random.randint(ks[9], (E,), 0, Nq, dtype=jnp.int32))
    # learned parameters (per init_kwargs: length_emb_dim=32, fc_neurons=[32,32], 2 scales)
    inp['Wpre1'] = jax.random.normal(ks[10], (L, L), dtype=jnp.float32) / np.sqrt(L)
    inp['bpre1'] = jnp.zeros((L,), dtype=jnp.float32)
    inp['Wpre2'] = jax.random.normal(ks[11], (L, L), dtype=jnp.float32) / np.sqrt(L)
    inp['bpre2'] = jnp.zeros((L,), dtype=jnp.float32)
    inp['W_gate'] = jax.random.normal(ks[12], (L, D), dtype=jnp.float32) / np.sqrt(L)
    inp['W_sh'] = jax.random.normal(ks[13], (4, D), dtype=jnp.float32) * 0.1
    inp['Wq'] = jax.random.normal(ks[14], (D, D), dtype=jnp.float32) / np.sqrt(D)
    inp['Wk'] = jax.random.normal(ks[15], (D, D), dtype=jnp.float32) / np.sqrt(D)
    inp['Wv'] = jax.random.normal(ks[16], (D, D), dtype=jnp.float32) / np.sqrt(D)
    inp['Wo'] = jax.random.normal(ks[17], (D, D), dtype=jnp.float32) / np.sqrt(D)
    inp['a_vec'] = jax.random.normal(ks[18], (H, DH), dtype=jnp.float32) * 0.1
    return inp


def _rbf(length, r_cut):
    centers = jnp.linspace(0.0, r_cut, L)
    gamma = (L / r_cut) ** 2
    return jnp.exp(-gamma * (length[:, None] - centers[None, :]) ** 2)


def _edge_enc(x_src, x_dst, esrc, edst, r_cut, Wpre, bpre):
    rel = x_src[esrc] - x_dst[edst]
    length = jnp.sqrt(jnp.sum(rel * rel, axis=-1) + 1e-12)
    scal = jax.nn.silu(_rbf(length, r_cut) @ Wpre + bpre)
    sh = jnp.concatenate([jnp.ones_like(length)[:, None], jnp.sqrt(3.0) * rel / length[:, None]], axis=-1)
    return scal, sh


def reference(query_x, query_f, src_x1, src_f1, src_x2, src_f2,
              edge_src1, edge_dst1, edge_src2, edge_dst2,
              Wpre1, bpre1, Wpre2, bpre2, W_gate, W_sh, Wq, Wk, Wv, Wo, a_vec):
    # per-scale radius-graph edge encoding (RadiusBipartite + edge_scalars_pre_linear)
    scal1, sh1 = _edge_enc(src_x1, query_x, edge_src1, edge_dst1, RC[0], Wpre1, bpre1)
    scal2, sh2 = _edge_enc(src_x2, query_x, edge_src2, edge_dst2, RC[1], Wpre2, bpre2)
    # flatten multiscale graphs (cat_graph_edges / cat_featured_points with src offset)
    esrc = jnp.concatenate([edge_src1, edge_src2 + N1])
    edst = jnp.concatenate([edge_dst1, edge_dst2])
    scal = jnp.concatenate([scal1, scal2], axis=0)
    sh = jnp.concatenate([sh1, sh2], axis=0)
    src_f = jnp.concatenate([src_f1, src_f2], axis=0)
    # EquiformerBlock: radial-gated message + sh mixing + mlp attention
    m = src_f[esrc] * (scal @ W_gate) + sh @ W_sh
    k = (m @ Wk).reshape(-1, H, DH)
    v = (m @ Wv).reshape(-1, H, DH)
    q = (query_f @ Wq).reshape(Nq, H, DH)
    feat = jax.nn.leaky_relu(q[edst] + k, 0.2)
    logits = jnp.einsum('ehd,hd->eh', feat, a_vec)
    mseg = jax.ops.segment_max(logits, edst, num_segments=Nq)
    mseg = jnp.where(jnp.isfinite(mseg), mseg, 0.0)
    ex = jnp.exp(logits - mseg[edst])
    den = jax.ops.segment_sum(ex, edst, num_segments=Nq) + 1e-9
    w = ex / den[edst]
    agg = jax.ops.segment_sum(w[..., None] * v, edst, num_segments=Nq)
    out = agg.reshape(Nq, D) @ Wo + query_f  # skip_connection=True
    return out

if __name__ == "__main__":
    import jax
    _d = setup_inputs()
    print(jax.jit(kernel)(*tuple(_d.values())))

</pallas_src>

<mosaic_0001>
#map = affine_map<(d0, d1) -> (0, 0)>
#map1 = affine_map<(d0, d1) -> (0)>
module attributes {stable_mosaic.version = 14 : i64} {
  func.func @_gather_body(%arg0: i32, %arg1: i32, %arg2: memref<50000x128xf32, #tpu.memory_space<hbm>>, %arg3: memref<50000x128xf32, #tpu.memory_space<hbm>>, %arg4: memref<160000xi32, #tpu.memory_space<hbm>>, %arg5: memref<160000x128xf32, #tpu.memory_space<hbm>>, %arg6: memref<160000x128xf32, #tpu.memory_space<hbm>>, %arg7: memref<128xi32, #tpu.memory_space<vmem>>, %arg8: memref<128x128xf32, #tpu.memory_space<vmem>>, %arg9: memref<128x128xf32, #tpu.memory_space<vmem>>, %arg10: memref<!tpu.dma_semaphore, #tpu.memory_space<semaphore_mem>>) attributes {dimension_semantics = [#tpu.dimension_semantics<core_parallel>, #tpu.dimension_semantics<subcore_parallel>], iteration_bounds = array<i64: 2, 16>, scalar_prefetch = 0 : i64, scratch_operands = 4 : i64, tpu.core_type = #tpu.core_type<sc_vector_subcore>, window_params = [{transform_indices = #map}, {transform_indices = #map}, {transform_indices = #map1}, {transform_indices = #map}, {transform_indices = #map}]} {
    %mul3A = arith.constant 2 : i32
    %mul3A_0 = arith.muli %arg1, %mul3A : i32
    %add3A = arith.addi %mul3A_0, %arg0 : i32
    %scan3A = arith.constant 0 : i32
    %scan3A_1 = arith.constant 0 : i32
    %scan3A_2 = arith.constant 40 : i32
    %scan3A_3 = arith.addi %scan3A_1, %scan3A_2 : i32
    %scan3A_4 = arith.constant 1 : i32
    scf.for %scan3A_6 = %scan3A_1 to %scan3A_3 step %scan3A_4  : i32 {
      %mul3A_7 = arith.constant 32 : i32
      %mul3A_8 = arith.muli %scan3A_6, %mul3A_7 : i32
      %add3A_9 = arith.addi %add3A, %mul3A_8 : i32
      %lt3A = arith.constant 1250 : i32
      %lt3A_10 = arith.cmpi slt, %add3A_9, %lt3A : i32
      %convert_element_type3A = arith.extui %lt3A_10 : i1 to i32
      %cond3A = arith.constant 0 : i32
      %cond3A_11 = arith.cmpi ne, %convert_element_type3A, %cond3A : i32
      scf.if %cond3A_11 {
        %mul3A_12 = arith.constant 128 : i32
        %mul3A_13 = arith.muli %add3A_9, %mul3A_12 : i32
        "tpu.region"() ({
          %run_scoped3A = tpu.sem_alloc : memref<!tpu.dma_semaphore, #tpu.memory_space<semaphore_mem>>
          %dma_start3A_24 = tpu.memref_slice %arg4[%mul3A_13] : memref<160000xi32, #tpu.memory_space<hbm>> -> memref<128xi32, #tpu.memory_space<hbm>>
          %dma_start3A_25 = tpu.memref_slice %arg4[%mul3A_13] : memref<160000xi32, #tpu.memory_space<hbm>> -> memref<128xi32, #tpu.memory_space<hbm>>
          tpu.enqueue_dma source(%dma_start3A_25 : memref<128xi32, #tpu.memory_space<hbm>>) target(%arg7 : memref<128xi32, #tpu.memory_space<vmem>>) target_semaphore(%run_scoped3A : memref<!tpu.dma_semaphore, #tpu.memory_space<semaphore_mem>>)
          %dma_wait3A_26 = tpu.memref_slice %arg4[%mul3A_13] : memref<160000xi32, #tpu.memory_space<hbm>> -> memref<128xi32, #tpu.memory_space<hbm>>
          %dma_wait3A_27 = tpu.memref_slice %arg4[%mul3A_13] : memref<160000xi32, #tpu.memory_space<hbm>> -> memref<128xi32, #tpu.memory_space<hbm>>
          tpu.wait_dma2 semaphore(%run_scoped3A : memref<!tpu.dma_semaphore, #tpu.memory_space<semaphore_mem>>) src(%dma_wait3A_27 : memref<128xi32, #tpu.memory_space<hbm>>) dst(%arg7 : memref<128xi32, #tpu.memory_space<vmem>>)
          tpu.yield
        }) : () -> ()
        %dma_start3A = arith.constant 0 : i32
        %dma_start3A_14 = arith.constant 0 : i32
        %dma_start3A_15 = tpu.memref_slice %arg2[%dma_start3A, %dma_start3A_14] : memref<50000x128xf32, #tpu.memory_space<hbm>> -> memref<50000x128xf32, #tpu.memory_space<hbm>>
        tpu.enqueue_indirect_dma source(%dma_start3A_15 : memref<50000x128xf32, #tpu.memory_space<hbm>>) target(%arg8 : memref<128x128xf32, #tpu.memory_space<vmem>>) offsets(%arg7 : memref<128xi32, #tpu.memory_space<vmem>>) semaphore(%arg10 : memref<!tpu.dma_semaphore, #tpu.memory_space<semaphore_mem>>)
        %dma_wait3A = arith.constant 0 : i32
        %dma_wait3A_16 = arith.constant 0 : i32
        %dma_wait3A_17 = tpu.memref_slice %arg2[%dma_wait3A, %dma_wait3A_16] : memref<50000x128xf32, #tpu.memory_space<hbm>> -> memref<50000x128xf32, #tpu.memory_space<hbm>>
        tpu.wait_indirect_dma semaphore(%arg10 : memref<!tpu.dma_semaphore, #tpu.memory_space<semaphore_mem>>) src(%dma_wait3A_17 : memref<50000x128xf32, #tpu.memory_space<hbm>>) dst(%arg8 : memref<128x128xf32, #tpu.memory_space<vmem>>)
        %dma_start3A_18 = arith.constant 0 : i32
        %dma_start3A_19 = arith.constant 0 : i32
        %dma_start3A_20 = tpu.memref_slice %arg3[%dma_start3A_18, %dma_start3A_19] : memref<50000x128xf32, #tpu.memory_space<hbm>> -> memref<50000x128xf32, #tpu.memory_space<hbm>>
        tpu.enqueue_indirect_dma source(%dma_start3A_20 : memref<50000x128xf32, #tpu.memory_space<hbm>>) target(%arg9 : memref<128x128xf32, #tpu.memory_space<vmem>>) offsets(%arg7 : memref<128xi32, #tpu.memory_space<vmem>>) semaphore(%arg10 : memref<!tpu.dma_semaphore, #tpu.memory_space<semaphore_mem>>)
        %dma_wait3A_21 = arith.constant 0 : i32
        %dma_wait3A_22 = arith.constant 0 : i32
        %dma_wait3A_23 = tpu.memref_slice %arg3[%dma_wait3A_21, %dma_wait3A_22] : memref<50000x128xf32, #tpu.memory_space<hbm>> -> memref<50000x128xf32, #tpu.memory_space<hbm>>
        tpu.wait_indirect_dma semaphore(%arg10 : memref<!tpu.dma_semaphore, #tpu.memory_space<semaphore_mem>>) src(%dma_wait3A_23 : memref<50000x128xf32, #tpu.memory_space<hbm>>) dst(%arg9 : memref<128x128xf32, #tpu.memory_space<vmem>>)
        "tpu.region"() ({
          %run_scoped3A = tpu.sem_alloc : memref<!tpu.dma_semaphore, #tpu.memory_space<semaphore_mem>>
          %dma_start3A_24 = arith.constant 0 : i32
          %dma_start3A_25 = tpu.memref_slice %arg5[%mul3A_13, %dma_start3A_24] : memref<160000x128xf32, #tpu.memory_space<hbm>> -> memref<128x128xf32, #tpu.memory_space<hbm>>
          %dma_start3A_26 = arith.constant 0 : i32
          %dma_start3A_27 = tpu.memref_slice %arg5[%mul3A_13, %dma_start3A_26] : memref<160000x128xf32, #tpu.memory_space<hbm>> -> memref<128x128xf32, #tpu.memory_space<hbm>>
          tpu.enqueue_dma source(%arg8 : memref<128x128xf32, #tpu.memory_space<vmem>>) target(%dma_start3A_27 : memref<128x128xf32, #tpu.memory_space<hbm>>) target_semaphore(%run_scoped3A : memref<!tpu.dma_semaphore, #tpu.memory_space<semaphore_mem>>)
          %dma_wait3A_28 = arith.constant 0 : i32
          %dma_wait3A_29 = tpu.memref_slice %arg5[%mul3A_13, %dma_wait3A_28] : memref<160000x128xf32, #tpu.memory_space<hbm>> -> memref<128x128xf32, #tpu.memory_space<hbm>>
          %dma_wait3A_30 = arith.constant 0 : i32
          %dma_wait3A_31 = tpu.memref_slice %arg5[%mul3A_13, %dma_wait3A_30] : memref<160000x128xf32, #tpu.memory_space<hbm>> -> memref<128x128xf32, #tpu.memory_space<hbm>>
          tpu.wait_dma2 semaphore(%run_scoped3A : memref<!tpu.dma_semaphore, #tpu.memory_space<semaphore_mem>>) src(%arg8 : memref<128x128xf32, #tpu.memory_space<vmem>>) dst(%dma_wait3A_31 : memref<128x128xf32, #tpu.memory_space<hbm>>)
          tpu.yield
        }) : () -> ()
        "tpu.region"() ({
          %run_scoped3A = tpu.sem_alloc : memref<!tpu.dma_semaphore, #tpu.memory_space<semaphore_mem>>
          %dma_start3A_24 = arith.constant 0 : i32
          %dma_start3A_25 = tpu.memref_slice %arg6[%mul3A_13, %dma_start3A_24] : memref<160000x128xf32, #tpu.memory_space<hbm>> -> memref<128x128xf32, #tpu.memory_space<hbm>>
          %dma_start3A_26 = arith.constant 0 : i32
          %dma_start3A_27 = tpu.memref_slice %arg6[%mul3A_13, %dma_start3A_26] : memref<160000x128xf32, #tpu.memory_space<hbm>> -> memref<128x128xf32, #tpu.memory_space<hbm>>
          tpu.enqueue_dma source(%arg9 : memref<128x128xf32, #tpu.memory_space<vmem>>) target(%dma_start3A_27 : memref<128x128xf32, #tpu.memory_space<hbm>>) target_semaphore(%run_scoped3A : memref<!tpu.dma_semaphore, #tpu.memory_space<semaphore_mem>>)
          %dma_wait3A_28 = arith.constant 0 : i32
          %dma_wait3A_29 = tpu.memref_slice %arg6[%mul3A_13, %dma_wait3A_28] : memref<160000x128xf32, #tpu.memory_space<hbm>> -> memref<128x128xf32, #tpu.memory_space<hbm>>
          %dma_wait3A_30 = arith.constant 0 : i32
          %dma_wait3A_31 = tpu.memref_slice %arg6[%mul3A_13, %dma_wait3A_30] : memref<160000x128xf32, #tpu.memory_space<hbm>> -> memref<128x128xf32, #tpu.memory_space<hbm>>
          tpu.wait_dma2 semaphore(%run_scoped3A : memref<!tpu.dma_semaphore, #tpu.memory_space<semaphore_mem>>) src(%arg9 : memref<128x128xf32, #tpu.memory_space<vmem>>) dst(%dma_wait3A_31 : memref<128x128xf32, #tpu.memory_space<hbm>>)
          tpu.yield
        }) : () -> ()
      } else {
      }
    }
    %scan3A_5 = arith.constant 40 : i32
    return
  }
}

#map = affine_map<(d0, d1) -> (0, 0)>
#map1 = affine_map<(d0, d1) -> (0)>
module attributes {stable_mosaic.version = 14 : i64} {
  func.func @_gather_body(%arg0: i32, %arg1: i32, %arg2: memref<50000x128xf32, #tpu.memory_space<hbm>>, %arg3: memref<50000x128xf32, #tpu.memory_space<hbm>>, %arg4: memref<160000xi32, #tpu.memory_space<hbm>>, %arg5: memref<160000x128xf32, #tpu.memory_space<hbm>>, %arg6: memref<160000x128xf32, #tpu.memory_space<hbm>>, %arg7: memref<128xi32, #tpu.memory_space<vmem>>, %arg8: memref<128x128xf32, #tpu.memory_space<vmem>>, %arg9: memref<128x128xf32, #tpu.memory_space<vmem>>, %arg10: memref<!tpu.dma_semaphore, #tpu.memory_space<semaphore_mem>>) attributes {dimension_semantics = [#tpu.dimension_semantics<core_parallel>, #tpu.dimension_semantics<subcore_parallel>], iteration_bounds = array<i64: 2, 16>, scalar_prefetch = 0 : i64, scratch_operands = 4 : i64, tpu.core_type = #tpu.core_type<sc_vector_subcore>, window_params = [{transform_indices = #map}, {transform_indices = #map}, {transform_indices = #map1}, {transform_indices = #map}, {transform_indices = #map}]} {
    %mul3A = arith.constant 2 : i32
    %mul3A_0 = arith.muli %arg1, %mul3A : i32
    %add3A = arith.addi %mul3A_0, %arg0 : i32
    %scan3A = arith.constant 0 : i32
    %scan3A_1 = arith.constant 0 : i32
    %scan3A_2 = arith.constant 40 : i32
    %scan3A_3 = arith.addi %scan3A_1, %scan3A_2 : i32
    %scan3A_4 = arith.constant 1 : i32
    scf.for %scan3A_6 = %scan3A_1 to %scan3A_3 step %scan3A_4  : i32 {
      %mul3A_7 = arith.constant 32 : i32
      %mul3A_8 = arith.muli %scan3A_6, %mul3A_7 : i32
      %add3A_9 = arith.addi %add3A, %mul3A_8 : i32
      %lt3A = arith.constant 1250 : i32
      %lt3A_10 = arith.cmpi slt, %add3A_9, %lt3A : i32
      %convert_element_type3A = arith.extui %lt3A_10 : i1 to i32
      %cond3A = arith.constant 0 : i32
      %cond3A_11 = arith.cmpi ne, %convert_element_type3A, %cond3A : i32
      scf.if %cond3A_11 {
        %mul3A_12 = arith.constant 128 : i32
        %mul3A_13 = arith.muli %add3A_9, %mul3A_12 : i32
        "tpu.region"() ({
          %run_scoped3A = tpu.sem_alloc : memref<!tpu.dma_semaphore, #tpu.memory_space<semaphore_mem>>
          %dma_start3A_24 = tpu.memref_slice %arg4[%mul3A_13] : memref<160000xi32, #tpu.memory_space<hbm>> -> memref<128xi32, #tpu.memory_space<hbm>>
          %dma_start3A_25 = tpu.memref_slice %arg4[%mul3A_13] : memref<160000xi32, #tpu.memory_space<hbm>> -> memref<128xi32, #tpu.memory_space<hbm>>
          tpu.enqueue_dma source(%dma_start3A_25 : memref<128xi32, #tpu.memory_space<hbm>>) target(%arg7 : memref<128xi32, #tpu.memory_space<vmem>>) target_semaphore(%run_scoped3A : memref<!tpu.dma_semaphore, #tpu.memory_space<semaphore_mem>>)
          %dma_wait3A_26 = tpu.memref_slice %arg4[%mul3A_13] : memref<160000xi32, #tpu.memory_space<hbm>> -> memref<128xi32, #tpu.memory_space<hbm>>
          %dma_wait3A_27 = tpu.memref_slice %arg4[%mul3A_13] : memref<160000xi32, #tpu.memory_space<hbm>> -> memref<128xi32, #tpu.memory_space<hbm>>
          tpu.wait_dma2 semaphore(%run_scoped3A : memref<!tpu.dma_semaphore, #tpu.memory_space<semaphore_mem>>) src(%dma_wait3A_27 : memref<128xi32, #tpu.memory_space<hbm>>) dst(%arg7 : memref<128xi32, #tpu.memory_space<vmem>>)
          tpu.yield
        }) : () -> ()
        %dma_start3A = arith.constant 0 : i32
        %dma_start3A_14 = arith.constant 0 : i32
        %dma_start3A_15 = tpu.memref_slice %arg2[%dma_start3A, %dma_start3A_14] : memref<50000x128xf32, #tpu.memory_space<hbm>> -> memref<50000x128xf32, #tpu.memory_space<hbm>>
        tpu.enqueue_indirect_dma source(%dma_start3A_15 : memref<50000x128xf32, #tpu.memory_space<hbm>>) target(%arg8 : memref<128x128xf32, #tpu.memory_space<vmem>>) offsets(%arg7 : memref<128xi32, #tpu.memory_space<vmem>>) semaphore(%arg10 : memref<!tpu.dma_semaphore, #tpu.memory_space<semaphore_mem>>)
        %dma_wait3A = arith.constant 0 : i32
        %dma_wait3A_16 = arith.constant 0 : i32
        %dma_wait3A_17 = tpu.memref_slice %arg2[%dma_wait3A, %dma_wait3A_16] : memref<50000x128xf32, #tpu.memory_space<hbm>> -> memref<50000x128xf32, #tpu.memory_space<hbm>>
        tpu.wait_indirect_dma semaphore(%arg10 : memref<!tpu.dma_semaphore, #tpu.memory_space<semaphore_mem>>) src(%dma_wait3A_17 : memref<50000x128xf32, #tpu.memory_space<hbm>>) dst(%arg8 : memref<128x128xf32, #tpu.memory_space<vmem>>)
        %dma_start3A_18 = arith.constant 0 : i32
        %dma_start3A_19 = arith.constant 0 : i32
        %dma_start3A_20 = tpu.memref_slice %arg3[%dma_start3A_18, %dma_start3A_19] : memref<50000x128xf32, #tpu.memory_space<hbm>> -> memref<50000x128xf32, #tpu.memory_space<hbm>>
        tpu.enqueue_indirect_dma source(%dma_start3A_20 : memref<50000x128xf32, #tpu.memory_space<hbm>>) target(%arg9 : memref<128x128xf32, #tpu.memory_space<vmem>>) offsets(%arg7 : memref<128xi32, #tpu.memory_space<vmem>>) semaphore(%arg10 : memref<!tpu.dma_semaphore, #tpu.memory_space<semaphore_mem>>)
        %dma_wait3A_21 = arith.constant 0 : i32
        %dma_wait3A_22 = arith.constant 0 : i32
        %dma_wait3A_23 = tpu.memref_slice %arg3[%dma_wait3A_21, %dma_wait3A_22] : memref<50000x128xf32, #tpu.memory_space<hbm>> -> memref<50000x128xf32, #tpu.memory_space<hbm>>
        tpu.wait_indirect_dma semaphore(%arg10 : memref<!tpu.dma_semaphore, #tpu.memory_space<semaphore_mem>>) src(%dma_wait3A_23 : memref<50000x128xf32, #tpu.memory_space<hbm>>) dst(%arg9 : memref<128x128xf32, #tpu.memory_space<vmem>>)
        "tpu.region"() ({
          %run_scoped3A = tpu.sem_alloc : memref<!tpu.dma_semaphore, #tpu.memory_space<semaphore_mem>>
          %dma_start3A_24 = arith.constant 0 : i32
          %dma_start3A_25 = tpu.memref_slice %arg5[%mul3A_13, %dma_start3A_24] : memref<160000x128xf32, #tpu.memory_space<hbm>> -> memref<128x128xf32, #tpu.memory_space<hbm>>
          %dma_start3A_26 = arith.constant 0 : i32
          %dma_start3A_27 = tpu.memref_slice %arg5[%mul3A_13, %dma_start3A_26] : memref<160000x128xf32, #tpu.memory_space<hbm>> -> memref<128x128xf32, #tpu.memory_space<hbm>>
          tpu.enqueue_dma source(%arg8 : memref<128x128xf32, #tpu.memory_space<vmem>>) target(%dma_start3A_27 : memref<128x128xf32, #tpu.memory_space<hbm>>) target_semaphore(%run_scoped3A : memref<!tpu.dma_semaphore, #tpu.memory_space<semaphore_mem>>)
          %dma_wait3A_28 = arith.constant 0 : i32
          %dma_wait3A_29 = tpu.memref_slice %arg5[%mul3A_13, %dma_wait3A_28] : memref<160000x128xf32, #tpu.memory_space<hbm>> -> memref<128x128xf32, #tpu.memory_space<hbm>>
          %dma_wait3A_30 = arith.constant 0 : i32
          %dma_wait3A_31 = tpu.memref_slice %arg5[%mul3A_13, %dma_wait3A_30] : memref<160000x128xf32, #tpu.memory_space<hbm>> -> memref<128x128xf32, #tpu.memory_space<hbm>>
          tpu.wait_dma2 semaphore(%run_scoped3A : memref<!tpu.dma_semaphore, #tpu.memory_space<semaphore_mem>>) src(%arg8 : memref<128x128xf32, #tpu.memory_space<vmem>>) dst(%dma_wait3A_31 : memref<128x128xf32, #tpu.memory_space<hbm>>)
          tpu.yield
        }) : () -> ()
        "tpu.region"() ({
          %run_scoped3A = tpu.sem_alloc : memref<!tpu.dma_semaphore, #tpu.memory_space<semaphore_mem>>
          %dma_start3A_24 = arith.constant 0 : i32
          %dma_start3A_25 = tpu.memref_slice %arg6[%mul3A_13, %dma_start3A_24] : memref<160000x128xf32, #tpu.memory_space<hbm>> -> memref<128x128xf32, #tpu.memory_space<hbm>>
          %dma_start3A_26 = arith.constant 0 : i32
          %dma_start3A_27 = tpu.memref_slice %arg6[%mul3A_13, %dma_start3A_26] : memref<160000x128xf32, #tpu.memory_space<hbm>> -> memref<128x128xf32, #tpu.memory_space<hbm>>
          tpu.enqueue_dma source(%arg9 : memref<128x128xf32, #tpu.memory_space<vmem>>) target(%dma_start3A_27 : memref<128x128xf32, #tpu.memory_space<hbm>>) target_semaphore(%run_scoped3A : memref<!tpu.dma_semaphore, #tpu.memory_space<semaphore_mem>>)
          %dma_wait3A_28 = arith.constant 0 : i32
          %dma_wait3A_29 = tpu.memref_slice %arg6[%mul3A_13, %dma_wait3A_28] : memref<160000x128xf32, #tpu.memory_space<hbm>> -> memref<128x128xf32, #tpu.memory_space<hbm>>
          %dma_wait3A_30 = arith.constant 0 : i32
          %dma_wait3A_31 = tpu.memref_slice %arg6[%mul3A_13, %dma_wait3A_30] : memref<160000x128xf32, #tpu.memory_space<hbm>> -> memref<128x128xf32, #tpu.memory_space<hbm>>
          tpu.wait_dma2 semaphore(%run_scoped3A : memref<!tpu.dma_semaphore, #tpu.memory_space<semaphore_mem>>) src(%arg9 : memref<128x128xf32, #tpu.memory_space<vmem>>) dst(%dma_wait3A_31 : memref<128x128xf32, #tpu.memory_space<hbm>>)
          tpu.yield
        }) : () -> ()
      } else {
      }
    }
    %scan3A_5 = arith.constant 40 : i32
    return
  }
}

module attributes {stable_mosaic.version = 14 : i64} {
  func.func @_qtab_body(%arg0: i32, %arg1: memref<1000x128xf32, #tpu.memory_space<vmem>>, %arg2: memref<1000x16xf32, #tpu.memory_space<vmem>>, %arg3: memref<128x128xf32, #tpu.memory_space<vmem>>, %arg4: memref<1000x256xf32, #tpu.memory_space<vmem>>) attributes {dimension_semantics = [#tpu.dimension_semantics<arbitrary>], iteration_bounds = array<i64: 10>, scalar_prefetch = 0 : i64, scratch_operands = 0 : i64, tpu.core_type = #tpu.core_type<tc>, window_params = [{transform_indices = @transform_0, window_bounds = array<i64: 1000, 128>}, {transform_indices = @transform_1, window_bounds = array<i64: 1000, 16>}, {pipeline_mode = #tpu.pipeline_mode<synchronous>, transform_indices = @transform_2, window_bounds = array<i64: 128, 128>}, {transform_indices = @transform_3, window_bounds = array<i64: 1000, 256>}]} {
    %get3A = arith.constant 0 : index
    %get3A_0 = arith.constant 0 : index
    %get3A_1 = vector.load %arg1[%get3A, %get3A_0] : memref<1000x128xf32, #tpu.memory_space<vmem>>, vector<1000x128xf32>
    %get3A_2 = arith.constant 0 : index
    %get3A_3 = arith.constant 0 : index
    %get3A_4 = vector.load %arg3[%get3A_2, %get3A_3] : memref<128x128xf32, #tpu.memory_space<vmem>>, vector<128x128xf32>
    %dot_general3A = arith.constant dense<0.000000e+00> : vector<1000x128xf32>
    %dot_general3A_5 = tpu.matmul %get3A_1, %get3A_4, %dot_general3A {dimension_numbers = #tpu.dot_dimension_numbers<[1], [0], [0], [1], [0, 0, 1, 1], [], []>, transpose_lhs_hint = false} : vector<1000x128xf32>, vector<128x128xf32>, vector<1000x128xf32> -> vector<1000x128xf32>
    %get3A_6 = arith.constant 0 : index
    %get3A_7 = arith.constant 0 : index
    %get3A_8 = vector.load %arg2[%get3A_6, %get3A_7] : memref<1000x16xf32, #tpu.memory_space<vmem>>, vector<1000x16xf32>
    %broadcast_in_dim3A = arith.constant 0.000000e+00 : f32
    %broadcast_in_dim3A_9 = vector.broadcast %broadcast_in_dim3A : f32 to vector<1000x112xf32>
    %concatenate3A = tpu.concatenate %dot_general3A_5, %get3A_8, %broadcast_in_dim3A_9 in 1 : vector<1000x128xf32>, vector<1000x16xf32>, vector<1000x112xf32> -> vector<1000x256xf32>
    %swap3A = arith.constant 0 : index
    %swap3A_10 = arith.constant 0 : index
    %swap3A_11 = vector.load %arg4[%swap3A, %swap3A_10] : memref<1000x256xf32, #tpu.memory_space<vmem>>, vector<1000x256xf32>
    tpu.vector_store %arg4[%swap3A, %swap3A_10], %concatenate3A {strides = array<i32>} : memref<1000x256xf32, #tpu.memory_space<vmem>>, vector<1000x256xf32>,
    return
  }
  func.func @transform_0(%arg0: i32) -> (i32, i32) {
    %c0_i32 = arith.constant 0 : i32
    %c0_i32_0 = arith.constant 0 : i32
    return %arg0, %c0_i32 : i32, i32
  }
  func.func @transform_1(%arg0: i32) -> (i32, i32) {
    %c0_i32 = arith.constant 0 : i32
    %c0_i32_0 = arith.constant 0 : i32
    return %arg0, %c0_i32 : i32, i32
  }
  func.func @transform_2(%arg0: i32) -> (i32, i32) {
    %c0_i32 = arith.constant 0 : i32
    %c0_i32_0 = arith.constant 0 : i32
    %c0_i32_1 = arith.constant 0 : i32
    return %c0_i32, %c0_i32_0 : i32, i32
  }
  func.func @transform_3(%arg0: i32) -> (i32, i32) {
    %c0_i32 = arith.constant 0 : i32
    %c0_i32_0 = arith.constant 0 : i32
    return %arg0, %c0_i32 : i32, i32
  }
}

module attributes {stable_mosaic.version = 14 : i64} {
  func.func @_chunk_body(%arg0: i32, %arg1: memref<150xi32, #tpu.memory_space<smem>>, %arg2: memref<150xi32, #tpu.memory_space<smem>>, %arg3: memref<150xi32, #tpu.memory_space<smem>>, %arg4: memref<1600x128xf32, #tpu.memory_space<vmem>>, %arg5: memref<1600x128xf32, #tpu.memory_space<vmem>>, %arg6: memref<200x256xf32, #tpu.memory_space<vmem>>, %arg7: memref<1x1x1600xi32, #tpu.memory_space<vmem>>, %arg8: memref<32x32xf32, #tpu.memory_space<vmem>>, %arg9: memref<1x32xf32, #tpu.memory_space<vmem>>, %arg10: memref<1x32xf32, #tpu.memory_space<vmem>>, %arg11: memref<32x128xf32, #tpu.memory_space<vmem>>, %arg12: memref<1x128xf32, #tpu.memory_space<vmem>>, %arg13: memref<16x128xf32, #tpu.memory_space<vmem>>, %arg14: memref<128x128xf32, #tpu.memory_space<vmem>>, %arg15: memref<128x128xf32, #tpu.memory_space<vmem>>, %arg16: memref<128x8xf32, #tpu.memory_space<vmem>>, %arg17: memref<8x128xf32, #tpu.memory_space<vmem>>, %arg18: memref<200x136xf32, #tpu.memory_space<vmem>>) attributes {dimension_semantics = [#tpu.dimension_semantics<arbitrary>], iteration_bounds = array<i64: 150>, scalar_prefetch = 3 : i64, scratch_operands = 0 : i64, tpu.core_type = #tpu.core_type<tc>, window_params = [{transform_indices = @transform_0, window_bounds = array<i64: 1600, 128>}, {transform_indices = @transform_1, window_bounds = array<i64: 1600, 128>}, {transform_indices = @transform_2, window_bounds = array<i64: 200, 256>}, {transform_indices = @transform_3, window_bounds = array<i64: 1, 1, 1600>}, {pipeline_mode = #tpu.pipeline_mode<synchronous>, transform_indices = @transform_4, window_bounds = array<i64: 32, 32>}, {pipeline_mode = #tpu.pipeline_mode<synchronous>, transform_indices = @transform_5, window_bounds = array<i64: 1, 32>}, {pipeline_mode = #tpu.pipeline_mode<synchronous>, transform_indices = @transform_6, window_bounds = array<i64: 1, 32>}, {pipeline_mode = #tpu.pipeline_mode<synchronous>, transform_indices = @transform_7, window_bounds = array<i64: 32, 128>}, {pipeline_mode = #tpu.pipeline_mode<synchronous>, transform_indices = @transform_8, window_bounds = array<i64: 1, 128>}, {pipeline_mode = #tpu.pipeline_mode<synchronous>, transform_indices = @transform_9, window_bounds = array<i64: 16, 128>}, {pipeline_mode = #tpu.pipeline_mode<synchronous>, transform_indices = @transform_10, window_bounds = array<i64: 128, 128>}, {pipeline_mode = #tpu.pipeline_mode<synchronous>, transform_indices = @transform_11, window_bounds = array<i64: 128, 128>}, {pipeline_mode = #tpu.pipeline_mode<synchronous>, transform_indices = @transform_12, window_bounds = array<i64: 128, 8>}, {pipeline_mode = #tpu.pipeline_mode<synchronous>, transform_indices = @transform_13, window_bounds = array<i64: 8, 128>}, {transform_indices = @transform_14, window_bounds = array<i64: 200, 136>}]} {
    %get3A = arith.index_cast %arg0 : i32 to index
    %get3A_0 = memref.load %arg1[%get3A] : memref<150xi32, #tpu.memory_space<smem>>
    %get3A_1 = arith.constant 0 : index
    %get3A_2 = arith.constant 0 : index
    %get3A_3 = arith.constant 0 : index
    %get3A_4 = vector.load %arg7[%get3A_1, %get3A_2, %get3A_3] : memref<1x1x1600xi32, #tpu.memory_space<vmem>>, vector<1x1x1600xi32>
    %reshape3A = vector.shape_cast %get3A_4 : vector<1x1x1600xi32> to vector<1x1600xi32>
    %mul3A = arith.constant 200 : i32
    %mul3A_5 = arith.muli %get3A_0, %mul3A : i32
    %iota3A = tpu.iota {dimensions = array<i32: 0>} : vector<200x1xi32>
    %add3A = vector.broadcast %mul3A_5 : i32 to vector<200x1xi32>
    %add3A_6 = arith.addi %add3A, %iota3A : vector<200x1xi32>
    %eq3A = vector.broadcast %reshape3A : vector<1x1600xi32> to vector<200x1600xi32>
    %eq3A_7 = vector.broadcast %add3A_6 : vector<200x1xi32> to vector<200x1600xi32>
    %eq3A_8 = arith.cmpi eq, %eq3A, %eq3A_7 : vector<200x1600xi32>
    %convert_element_type3A = arith.extui %eq3A_8 : vector<200x1600xi1> to vector<200x1600xi32>
    %convert_element_type3A_9 = arith.sitofp %convert_element_type3A : vector<200x1600xi32> to vector<200x1600xf32>
    %get3A_10 = arith.constant 0 : index
    %get3A_11 = arith.constant 0 : index
    %get3A_12 = vector.load %arg6[%get3A_10, %get3A_11] : memref<200x256xf32, #tpu.memory_space<vmem>>, vector<200x256xf32>
    %dot_general3A = arith.constant dense<0.000000e+00> : vector<1600x256xf32>
    %dot_general3A_13 = tpu.matmul %convert_element_type3A_9, %get3A_12, %dot_general3A {dimension_numbers = #tpu.dot_dimension_numbers<[0], [0], [1], [1], [0, 1, 1, 1], [], []>, transpose_lhs_hint = false} : vector<200x1600xf32>, vector<200x256xf32>, vector<1600x256xf32> -> vector<1600x256xf32>
    %slice3A = vector.extract_strided_slice %dot_general3A_13 {offsets = [0, 0], sizes = [1600, 128], strides = [1, 1]} : vector<1600x256xf32> to vector<1600x128xf32>
    %slice3A_14 = vector.extract_strided_slice %dot_general3A_13 {offsets = [0, 128], sizes = [1600, 16], strides = [1, 1]} : vector<1600x256xf32> to vector<1600x16xf32>
    %get3A_15 = arith.constant 0 : index
    %get3A_16 = arith.constant 0 : index
    %get3A_17 = vector.load %arg4[%get3A_15, %get3A_16] : memref<1600x128xf32, #tpu.memory_space<vmem>>, vector<1600x128xf32>
    %get3A_18 = arith.constant 0 : index
    %get3A_19 = arith.constant 0 : index
    %get3A_20 = vector.load %arg5[%get3A_18, %get3A_19] : memref<1600x128xf32, #tpu.memory_space<vmem>>, vector<1600x16xf32>
    %sub3A = arith.subf %get3A_20, %slice3A_14 : vector<1600x16xf32>
    %mul3A_21 = arith.mulf %sub3A, %sub3A : vector<1600x16xf32>
    %reduce_sum3A = arith.constant dense<0.000000e+00> : vector<1600xf32>
    %reduce_sum3A_22 = vector.multi_reduction <add>, %mul3A_21, %reduce_sum3A [1] : vector<1600x16xf32> to vector<1600xf32>
    %broadcast_in_dim3A = vector.shape_cast %reduce_sum3A_22 : vector<1600xf32> to vector<1600x1xf32>
    %add3A_23 = arith.constant 9.99999996E-13 : f32
    %add3A_24 = vector.broadcast %add3A_23 : f32 to vector<1600x1xf32>
    %add3A_25 = arith.addf %broadcast_in_dim3A, %add3A_24 : vector<1600x1xf32>
    %sqrt3A = math.sqrt %add3A_25 : vector<1600x1xf32>
    %get3A_26 = arith.constant 0 : index
    %get3A_27 = arith.constant 0 : index
    %get3A_28 = vector.load %arg10[%get3A_26, %get3A_27] : memref<1x32xf32, #tpu.memory_space<vmem>>, vector<1x32xf32>
    %sub3A_29 = vector.broadcast %sqrt3A : vector<1600x1xf32> to vector<1600x32xf32>
    %sub3A_30 = vector.broadcast %get3A_28 : vector<1x32xf32> to vector<1600x32xf32>
    %sub3A_31 = arith.subf %sub3A_29, %sub3A_30 : vector<1600x32xf32>
    %mul3A_32 = arith.constant -1.024000e+03 : f32
    %mul3A_33 = vector.broadcast %mul3A_32 : f32 to vector<1600x32xf32>
    %mul3A_34 = arith.mulf %mul3A_33, %sub3A_31 : vector<1600x32xf32>
    %mul3A_35 = arith.mulf %mul3A_34, %sub3A_31 : vector<1600x32xf32>
    %exp3A = math.exp %mul3A_35 : vector<1600x32xf32>
    %get3A_36 = arith.constant 0 : index
    %get3A_37 = arith.constant 0 : index
    %get3A_38 = vector.load %arg8[%get3A_36, %get3A_37] : memref<32x32xf32, #tpu.memory_space<vmem>>, vector<32x32xf32>
    %dot_general3A_39 = arith.constant dense<0.000000e+00> : vector<1600x32xf32>
    %dot_general3A_40 = tpu.matmul %exp3A, %get3A_38, %dot_general3A_39 {dimension_numbers = #tpu.dot_dimension_numbers<[1], [0], [0], [1], [0, 0, 1, 1], [], []>, transpose_lhs_hint = false} : vector<1600x32xf32>, vector<32x32xf32>, vector<1600x32xf32> -> vector<1600x32xf32>
    %get3A_41 = arith.constant 0 : index
    %get3A_42 = arith.constant 0 : index
    %get3A_43 = vector.load %arg9[%get3A_41, %get3A_42] : memref<1x32xf32, #tpu.memory_space<vmem>>, vector<1x32xf32>
    %add3A_44 = vector.broadcast %get3A_43 : vector<1x32xf32> to vector<1600x32xf32>
    %add3A_45 = arith.addf %dot_general3A_40, %add3A_44 : vector<1600x32xf32>
    %logistic3A = arith.negf %add3A_45 : vector<1600x32xf32>
    %logistic3A_46 = math.exp %logistic3A : vector<1600x32xf32>
    %logistic3A_47 = arith.constant 1.000000e+00 : f32
    %logistic3A_48 = vector.broadcast %logistic3A_47 : f32 to vector<1600x32xf32>
    %logistic3A_49 = arith.addf %logistic3A_48, %logistic3A_46 : vector<1600x32xf32>
    %logistic3A_50 = arith.divf %logistic3A_48, %logistic3A_49 : vector<1600x32xf32>
    %mul3A_51 = arith.mulf %add3A_45, %logistic3A_50 : vector<1600x32xf32>
    %get3A_52 = arith.constant 0 : index
    %get3A_53 = arith.constant 0 : index
    %get3A_54 = vector.load %arg11[%get3A_52, %get3A_53] : memref<32x128xf32, #tpu.memory_space<vmem>>, vector<32x128xf32>
    %dot_general3A_55 = arith.constant dense<0.000000e+00> : vector<1600x128xf32>
    %dot_general3A_56 = tpu.matmul %mul3A_51, %get3A_54, %dot_general3A_55 {dimension_numbers = #tpu.dot_dimension_numbers<[1], [0], [0], [1], [0, 0, 1, 1], [], []>, transpose_lhs_hint = false} : vector<1600x32xf32>, vector<32x128xf32>, vector<1600x128xf32> -> vector<1600x128xf32>
    %div3A = arith.constant 1.73205078 : f32
    %div3A_57 = vector.broadcast %div3A : f32 to vector<1600x1xf32>
    %div3A_58 = arith.divf %div3A_57, %sqrt3A : vector<1600x1xf32>
    %get3A_59 = arith.constant 0 : index
    %get3A_60 = arith.constant 0 : index
    %get3A_61 = vector.load %arg12[%get3A_59, %get3A_60] : memref<1x128xf32, #tpu.memory_space<vmem>>, vector<1x128xf32>
    %get3A_62 = arith.constant 0 : index
    %get3A_63 = arith.constant 0 : index
    %get3A_64 = vector.load %arg13[%get3A_62, %get3A_63] : memref<16x128xf32, #tpu.memory_space<vmem>>, vector<16x128xf32>
    %dot_general3A_65 = arith.constant dense<0.000000e+00> : vector<1600x128xf32>
    %dot_general3A_66 = tpu.matmul %sub3A, %get3A_64, %dot_general3A_65 {dimension_numbers = #tpu.dot_dimension_numbers<[1], [0], [0], [1], [0, 0, 1, 1], [], []>, transpose_lhs_hint = false} : vector<1600x16xf32>, vector<16x128xf32>, vector<1600x128xf32> -> vector<1600x128xf32>
    %mul3A_67 = vector.broadcast %div3A_58 : vector<1600x1xf32> to vector<1600x128xf32>
    %mul3A_68 = arith.mulf %mul3A_67, %dot_general3A_66 : vector<1600x128xf32>
    %add3A_69 = vector.broadcast %get3A_61 : vector<1x128xf32> to vector<1600x128xf32>
    %add3A_70 = arith.addf %add3A_69, %mul3A_68 : vector<1600x128xf32>
    %mul3A_71 = arith.mulf %get3A_17, %dot_general3A_56 : vector<1600x128xf32>
    %add3A_72 = arith.addf %mul3A_71, %add3A_70 : vector<1600x128xf32>
    %get3A_73 = arith.constant 0 : index
    %get3A_74 = arith.constant 0 : index
    %get3A_75 = vector.load %arg14[%get3A_73, %get3A_74] : memref<128x128xf32, #tpu.memory_space<vmem>>, vector<128x128xf32>
    %dot_general3A_76 = arith.constant dense<0.000000e+00> : vector<1600x128xf32>
    %dot_general3A_77 = tpu.matmul %add3A_72, %get3A_75, %dot_general3A_76 {dimension_numbers = #tpu.dot_dimension_numbers<[1], [0], [0], [1], [0, 0, 1, 1], [], []>, transpose_lhs_hint = false} : vector<1600x128xf32>, vector<128x128xf32>, vector<1600x128xf32> -> vector<1600x128xf32>
    %get3A_78 = arith.constant 0 : index
    %get3A_79 = arith.constant 0 : index
    %get3A_80 = vector.load %arg15[%get3A_78, %get3A_79] : memref<128x128xf32, #tpu.memory_space<vmem>>, vector<128x128xf32>
    %dot_general3A_81 = arith.constant dense<0.000000e+00> : vector<1600x128xf32>
    %dot_general3A_82 = tpu.matmul %add3A_72, %get3A_80, %dot_general3A_81 {dimension_numbers = #tpu.dot_dimension_numbers<[1], [0], [0], [1], [0, 0, 1, 1], [], []>, transpose_lhs_hint = false} : vector<1600x128xf32>, vector<128x128xf32>, vector<1600x128xf32> -> vector<1600x128xf32>
    %add3A_83 = arith.addf %slice3A, %dot_general3A_77 : vector<1600x128xf32>
    %ge3A = arith.constant 0.000000e+00 : f32
    %ge3A_84 = vector.broadcast %ge3A : f32 to vector<1600x128xf32>
    %ge3A_85 = arith.cmpf oge, %add3A_83, %ge3A_84 : vector<1600x128xf32>
    %mul3A_86 = arith.constant 2.000000e-01 : f32
    %mul3A_87 = vector.broadcast %mul3A_86 : f32 to vector<1600x128xf32>
    %mul3A_88 = arith.mulf %mul3A_87, %add3A_83 : vector<1600x128xf32>
    %select_n3A = arith.select %ge3A_85, %add3A_83, %mul3A_88 : vector<1600x128xi1>, vector<1600x128xf32>
    %get3A_89 = arith.constant 0 : index
    %get3A_90 = arith.constant 0 : index
    %get3A_91 = vector.load %arg16[%get3A_89, %get3A_90] : memref<128x8xf32, #tpu.memory_space<vmem>>, vector<128x8xf32>
    %dot_general3A_92 = arith.constant dense<0.000000e+00> : vector<1600x8xf32>
    %dot_general3A_93 = tpu.matmul %select_n3A, %get3A_91, %dot_general3A_92 {dimension_numbers = #tpu.dot_dimension_numbers<[1], [0], [0], [1], [0, 0, 1, 1], [], []>, transpose_lhs_hint = false} : vector<1600x128xf32>, vector<128x8xf32>, vector<1600x8xf32> -> vector<1600x8xf32>
    %exp3A_94 = math.exp %dot_general3A_93 : vector<1600x8xf32>
    %get3A_95 = arith.constant 0 : index
    %get3A_96 = arith.constant 0 : index
    %get3A_97 = vector.load %arg17[%get3A_95, %get3A_96] : memref<8x128xf32, #tpu.memory_space<vmem>>, vector<8x128xf32>
    %dot_general3A_98 = arith.constant dense<0.000000e+00> : vector<1600x128xf32>
    %dot_general3A_99 = tpu.matmul %exp3A_94, %get3A_97, %dot_general3A_98 {dimension_numbers = #tpu.dot_dimension_numbers<[1], [0], [0], [1], [0, 0, 1, 1], [], []>, transpose_lhs_hint = false} : vector<1600x8xf32>, vector<8x128xf32>, vector<1600x128xf32> -> vector<1600x128xf32>
    %mul3A_100 = arith.mulf %dot_general3A_82, %dot_general3A_99 : vector<1600x128xf32>
    %get3A_101 = arith.index_cast %arg0 : i32 to index
    %get3A_102 = memref.load %arg3[%get3A_101] : memref<150xi32, #tpu.memory_space<smem>>
    %convert_element_type3A_103 = arith.sitofp %get3A_102 : i32 to f32
    %dot_general3A_104 = arith.constant dense<0.000000e+00> : vector<200x128xf32>
    %dot_general3A_105 = tpu.matmul %convert_element_type3A_9, %mul3A_100, %dot_general3A_104 {dimension_numbers = #tpu.dot_dimension_numbers<[1], [0], [0], [1], [0, 0, 1, 1], [], []>, transpose_lhs_hint = false} : vector<200x1600xf32>, vector<1600x128xf32>, vector<200x128xf32> -> vector<200x128xf32>
    %mul3A_106 = vector.broadcast %convert_element_type3A_103 : f32 to vector<200x128xf32>
    %mul3A_107 = arith.mulf %dot_general3A_105, %mul3A_106 : vector<200x128xf32>
    %dot_general3A_108 = arith.constant dense<0.000000e+00> : vector<200x8xf32>
    %dot_general3A_109 = tpu.matmul %convert_element_type3A_9, %exp3A_94, %dot_general3A_108 {dimension_numbers = #tpu.dot_dimension_numbers<[1], [0], [0], [1], [0, 0, 1, 1], [], []>, transpose_lhs_hint = false} : vector<200x1600xf32>, vector<1600x8xf32>, vector<200x8xf32> -> vector<200x8xf32>
    %mul3A_110 = vector.broadcast %convert_element_type3A_103 : f32 to vector<200x8xf32>
    %mul3A_111 = arith.mulf %dot_general3A_109, %mul3A_110 : vector<200x8xf32>
    %concatenate3A = tpu.concatenate %mul3A_107, %mul3A_111 in 1 : vector<200x128xf32>, vector<200x8xf32> -> vector<200x136xf32>
    %sub3A_112 = arith.constant 1 : i32
    %sub3A_113 = arith.subi %arg0, %sub3A_112 : i32
    %max3A = arith.constant 0 : i32
    %max3A_114 = arith.maxsi %sub3A_113, %max3A : i32
    %eq3A_115 = arith.constant 0 : i32
    %eq3A_116 = arith.cmpi eq, %arg0, %eq3A_115 : i32
    %get3A_117 = arith.index_cast %arg0 : i32 to index
    %get3A_118 = memref.load %arg1[%get3A_117] : memref<150xi32, #tpu.memory_space<smem>>
    %get3A_119 = arith.index_cast %max3A_114 : i32 to index
    %get3A_120 = memref.load %arg1[%get3A_119] : memref<150xi32, #tpu.memory_space<smem>>
    %ne3A = arith.cmpi ne, %get3A_118, %get3A_120 : i32
    %or3A = arith.ori %eq3A_116, %ne3A : i1
    %convert_element_type3A_121 = arith.extui %or3A : i1 to i32
    %cond3A = arith.constant 0 : i32
    %cond3A_122 = arith.cmpi ne, %convert_element_type3A_121, %cond3A : i32
    scf.if %cond3A_122 {
      %swap3A = arith.constant 0 : index
      %swap3A_127 = arith.constant 0 : index
      %swap3A_128 = vector.load %arg18[%swap3A, %swap3A_127] : memref<200x136xf32, #tpu.memory_space<vmem>>, vector<200x136xf32>
      tpu.vector_store %arg18[%swap3A, %swap3A_127], %concatenate3A {strides = array<i32>} : memref<200x136xf32, #tpu.memory_space<vmem>>, vector<200x136xf32>,
    } else {
    }
    %not3A = arith.constant true
    %not3A_123 = arith.xori %or3A, %not3A : i1
    %convert_element_type3A_124 = arith.extui %not3A_123 : i1 to i32
    %cond3A_125 = arith.constant 0 : i32
    %cond3A_126 = arith.cmpi ne, %convert_element_type3A_124, %cond3A_125 : i32
    scf.if %cond3A_126 {
      %get3A_127 = arith.constant 0 : index
      %get3A_128 = arith.constant 0 : index
      %get3A_129 = vector.load %arg18[%get3A_127, %get3A_128] : memref<200x136xf32, #tpu.memory_space<vmem>>, vector<200x136xf32>
      %add3A_130 = arith.addf %get3A_129, %concatenate3A : vector<200x136xf32>
      %swap3A = arith.constant 0 : index
      %swap3A_131 = arith.constant 0 : index
      %swap3A_132 = vector.load %arg18[%swap3A, %swap3A_131] : memref<200x136xf32, #tpu.memory_space<vmem>>, vector<200x136xf32>
      tpu.vector_store %arg18[%swap3A, %swap3A_131], %add3A_130 {strides = array<i32>} : memref<200x136xf32, #tpu.memory_space<vmem>>, vector<200x136xf32>,
    } else {
    }
    return
  }
  func.func @transform_0(%arg0: i32, %arg1: memref<150xi32, #tpu.memory_space<smem>>, %arg2: memref<150xi32, #tpu.memory_space<smem>>, %arg3: memref<150xi32, #tpu.memory_space<smem>>) -> (i32, i32) {
    %get3A = arith.index_cast %arg0 : i32 to index
    %get3A_0 = memref.load %arg2[%get3A] : memref<150xi32, #tpu.memory_space<smem>>
    %c0_i32 = arith.constant 0 : i32
    %c0_i32_1 = arith.constant 0 : i32
    return %get3A_0, %c0_i32 : i32, i32
  }
  func.func @transform_1(%arg0: i32, %arg1: memref<150xi32, #tpu.memory_space<smem>>, %arg2: memref<150xi32, #tpu.memory_space<smem>>, %arg3: memref<150xi32, #tpu.memory_space<smem>>) -> (i32, i32) {
    %get3A = arith.index_cast %arg0 : i32 to index
    %get3A_0 = memref.load %arg2[%get3A] : memref<150xi32, #tpu.memory_space<smem>>
    %c0_i32 = arith.constant 0 : i32
    %c0_i32_1 = arith.constant 0 : i32
    return %get3A_0, %c0_i32 : i32, i32
  }
  func.func @transform_2(%arg0: i32, %arg1: memref<150xi32, #tpu.memory_space<smem>>, %arg2: memref<150xi32, #tpu.memory_space<smem>>, %arg3: memref<150xi32, #tpu.memory_space<smem>>) -> (i32, i32) {
    %get3A = arith.index_cast %arg0 : i32 to index
    %get3A_0 = memref.load %arg1[%get3A] : memref<150xi32, #tpu.memory_space<smem>>
    %c0_i32 = arith.constant 0 : i32
    %c0_i32_1 = arith.constant 0 : i32
    return %get3A_0, %c0_i32 : i32, i32
  }
  func.func @transform_3(%arg0: i32, %arg1: memref<150xi32, #tpu.memory_space<smem>>, %arg2: memref<150xi32, #tpu.memory_space<smem>>, %arg3: memref<150xi32, #tpu.memory_space<smem>>) -> (i32, i32, i32) {
    %get3A = arith.index_cast %arg0 : i32 to index
    %get3A_0 = memref.load %arg2[%get3A] : memref<150xi32, #tpu.memory_space<smem>>
    %c0_i32 = arith.constant 0 : i32
    %c0_i32_1 = arith.constant 0 : i32
    %c0_i32_2 = arith.constant 0 : i32
    return %get3A_0, %c0_i32, %c0_i32_1 : i32, i32, i32
  }
  func.func @transform_4(%arg0: i32, %arg1: memref<150xi32, #tpu.memory_space<smem>>, %arg2: memref<150xi32, #tpu.memory_space<smem>>, %arg3: memref<150xi32, #tpu.memory_space<smem>>) -> (i32, i32) {
    %c0_i32 = arith.constant 0 : i32
    %c0_i32_0 = arith.constant 0 : i32
    %c0_i32_1 = arith.constant 0 : i32
    return %c0_i32, %c0_i32_0 : i32, i32
  }
  func.func @transform_5(%arg0: i32, %arg1: memref<150xi32, #tpu.memory_space<smem>>, %arg2: memref<150xi32, #tpu.memory_space<smem>>, %arg3: memref<150xi32, #tpu.memory_space<smem>>) -> (i32, i32) {
    %c0_i32 = arith.constant 0 : i32
    %c0_i32_0 = arith.constant 0 : i32
    %c0_i32_1 = arith.constant 0 : i32
    return %c0_i32, %c0_i32_0 : i32, i32
  }
  func.func @transform_6(%arg0: i32, %arg1: memref<150xi32, #tpu.memory_space<smem>>, %arg2: memref<150xi32, #tpu.memory_space<smem>>, %arg3: memref<150xi32, #tpu.memory_space<smem>>) -> (i32, i32) {
    %c0_i32 = arith.constant 0 : i32
    %c0_i32_0 = arith.constant 0 : i32
    %c0_i32_1 = arith.constant 0 : i32
    return %c0_i32, %c0_i32_0 : i32, i32
  }
  func.func @transform_7(%arg0: i32, %arg1: memref<150xi32, #tpu.memory_space<smem>>, %arg2: memref<150xi32, #tpu.memory_space<smem>>, %arg3: memref<150xi32, #tpu.memory_space<smem>>) -> (i32, i32) {
    %c0_i32 = arith.constant 0 : i32
    %c0_i32_0 = arith.constant 0 : i32
    %c0_i32_1 = arith.constant 0 : i32
    return %c0_i32, %c0_i32_0 : i32, i32
  }
  func.func @transform_8(%arg0: i32, %arg1: memref<150xi32, #tpu.memory_space<smem>>, %arg2: memref<150xi32, #tpu.memory_space<smem>>, %arg3: memref<150xi32, #tpu.memory_space<smem>>) -> (i32, i32) {
    %c0_i32 = arith.constant 0 : i32
    %c0_i32_0 = arith.constant 0 : i32
    %c0_i32_1 = arith.constant 0 : i32
    return %c0_i32, %c0_i32_0 : i32, i32
  }
  func.func @transform_9(%arg0: i32, %arg1: memref<150xi32, #tpu.memory_space<smem>>, %arg2: memref<150xi32, #tpu.memory_space<smem>>, %arg3: memref<150xi32, #tpu.memory_space<smem>>) -> (i32, i32) {
    %c0_i32 = arith.constant 0 : i32
    %c0_i32_0 = arith.constant 0 : i32
    %c0_i32_1 = arith.constant 0 : i32
    return %c0_i32, %c0_i32_0 : i32, i32
  }
  func.func @transform_10(%arg0: i32, %arg1: memref<150xi32, #tpu.memory_space<smem>>, %arg2: memref<150xi32, #tpu.memory_space<smem>>, %arg3: memref<150xi32, #tpu.memory_space<smem>>) -> (i32, i32) {
    %c0_i32 = arith.constant 0 : i32
    %c0_i32_0 = arith.constant 0 : i32
    %c0_i32_1 = arith.constant 0 : i32
    return %c0_i32, %c0_i32_0 : i32, i32
  }
  func.func @transform_11(%arg0: i32, %arg1: memref<150xi32, #tpu.memory_space<smem>>, %arg2: memref<150xi32, #tpu.memory_space<smem>>, %arg3: memref<150xi32, #tpu.memory_space<smem>>) -> (i32, i32) {
    %c0_i32 = arith.constant 0 : i32
    %c0_i32_0 = arith.constant 0 : i32
    %c0_i32_1 = arith.constant 0 : i32
    return %c0_i32, %c0_i32_0 : i32, i32
  }
  func.func @transform_12(%arg0: i32, %arg1: memref<150xi32, #tpu.memory_space<smem>>, %arg2: memref<150xi32, #tpu.memory_space<smem>>, %arg3: memref<150xi32, #tpu.memory_space<smem>>) -> (i32, i32) {
    %c0_i32 = arith.constant 0 : i32
    %c0_i32_0 = arith.constant 0 : i32
    %c0_i32_1 = arith.constant 0 : i32
    return %c0_i32, %c0_i32_0 : i32, i32
  }
  func.func @transform_13(%arg0: i32, %arg1: memref<150xi32, #tpu.memory_space<smem>>, %arg2: memref<150xi32, #tpu.memory_space<smem>>, %arg3: memref<150xi32, #tpu.memory_space<smem>>) -> (i32, i32) {
    %c0_i32 = arith.constant 0 : i32
    %c0_i32_0 = arith.constant 0 : i32
    %c0_i32_1 = arith.constant 0 : i32
    return %c0_i32, %c0_i32_0 : i32, i32
  }
  func.func @transform_14(%arg0: i32, %arg1: memref<150xi32, #tpu.memory_space<smem>>, %arg2: memref<150xi32, #tpu.memory_space<smem>>, %arg3: memref<150xi32, #tpu.memory_space<smem>>) -> (i32, i32) {
    %get3A = arith.index_cast %arg0 : i32 to index
    %get3A_0 = memref.load %arg1[%get3A] : memref<150xi32, #tpu.memory_space<smem>>
    %c0_i32 = arith.constant 0 : i32
    %c0_i32_1 = arith.constant 0 : i32
    return %get3A_0, %c0_i32 : i32, i32
  }
}

module attributes {stable_mosaic.version = 14 : i64} {
  func.func @_chunk_body(%arg0: i32, %arg1: memref<150xi32, #tpu.memory_space<smem>>, %arg2: memref<150xi32, #tpu.memory_space<smem>>, %arg3: memref<150xi32, #tpu.memory_space<smem>>, %arg4: memref<1600x128xf32, #tpu.memory_space<vmem>>, %arg5: memref<1600x128xf32, #tpu.memory_space<vmem>>, %arg6: memref<200x256xf32, #tpu.memory_space<vmem>>, %arg7: memref<1x1x1600xi32, #tpu.memory_space<vmem>>, %arg8: memref<32x32xf32, #tpu.memory_space<vmem>>, %arg9: memref<1x32xf32, #tpu.memory_space<vmem>>, %arg10: memref<1x32xf32, #tpu.memory_space<vmem>>, %arg11: memref<32x128xf32, #tpu.memory_space<vmem>>, %arg12: memref<1x128xf32, #tpu.memory_space<vmem>>, %arg13: memref<16x128xf32, #tpu.memory_space<vmem>>, %arg14: memref<128x128xf32, #tpu.memory_space<vmem>>, %arg15: memref<128x128xf32, #tpu.memory_space<vmem>>, %arg16: memref<128x8xf32, #tpu.memory_space<vmem>>, %arg17: memref<8x128xf32, #tpu.memory_space<vmem>>, %arg18: memref<200x136xf32, #tpu.memory_space<vmem>>) attributes {dimension_semantics = [#tpu.dimension_semantics<arbitrary>], iteration_bounds = array<i64: 150>, scalar_prefetch = 3 : i64, scratch_operands = 0 : i64, tpu.core_type = #tpu.core_type<tc>, window_params = [{transform_indices = @transform_0, window_bounds = array<i64: 1600, 128>}, {transform_indices = @transform_1, window_bounds = array<i64: 1600, 128>}, {transform_indices = @transform_2, window_bounds = array<i64: 200, 256>}, {transform_indices = @transform_3, window_bounds = array<i64: 1, 1, 1600>}, {pipeline_mode = #tpu.pipeline_mode<synchronous>, transform_indices = @transform_4, window_bounds = array<i64: 32, 32>}, {pipeline_mode = #tpu.pipeline_mode<synchronous>, transform_indices = @transform_5, window_bounds = array<i64: 1, 32>}, {pipeline_mode = #tpu.pipeline_mode<synchronous>, transform_indices = @transform_6, window_bounds = array<i64: 1, 32>}, {pipeline_mode = #tpu.pipeline_mode<synchronous>, transform_indices = @transform_7, window_bounds = array<i64: 32, 128>}, {pipeline_mode = #tpu.pipeline_mode<synchronous>, transform_indices = @transform_8, window_bounds = array<i64: 1, 128>}, {pipeline_mode = #tpu.pipeline_mode<synchronous>, transform_indices = @transform_9, window_bounds = array<i64: 16, 128>}, {pipeline_mode = #tpu.pipeline_mode<synchronous>, transform_indices = @transform_10, window_bounds = array<i64: 128, 128>}, {pipeline_mode = #tpu.pipeline_mode<synchronous>, transform_indices = @transform_11, window_bounds = array<i64: 128, 128>}, {pipeline_mode = #tpu.pipeline_mode<synchronous>, transform_indices = @transform_12, window_bounds = array<i64: 128, 8>}, {pipeline_mode = #tpu.pipeline_mode<synchronous>, transform_indices = @transform_13, window_bounds = array<i64: 8, 128>}, {transform_indices = @transform_14, window_bounds = array<i64: 200, 136>}]} {
    %get3A = arith.index_cast %arg0 : i32 to index
    %get3A_0 = memref.load %arg1[%get3A] : memref<150xi32, #tpu.memory_space<smem>>
    %get3A_1 = arith.constant 0 : index
    %get3A_2 = arith.constant 0 : index
    %get3A_3 = arith.constant 0 : index
    %get3A_4 = vector.load %arg7[%get3A_1, %get3A_2, %get3A_3] : memref<1x1x1600xi32, #tpu.memory_space<vmem>>, vector<1x1x1600xi32>
    %reshape3A = vector.shape_cast %get3A_4 : vector<1x1x1600xi32> to vector<1x1600xi32>
    %mul3A = arith.constant 200 : i32
    %mul3A_5 = arith.muli %get3A_0, %mul3A : i32
    %iota3A = tpu.iota {dimensions = array<i32: 0>} : vector<200x1xi32>
    %add3A = vector.broadcast %mul3A_5 : i32 to vector<200x1xi32>
    %add3A_6 = arith.addi %add3A, %iota3A : vector<200x1xi32>
    %eq3A = vector.broadcast %reshape3A : vector<1x1600xi32> to vector<200x1600xi32>
    %eq3A_7 = vector.broadcast %add3A_6 : vector<200x1xi32> to vector<200x1600xi32>
    %eq3A_8 = arith.cmpi eq, %eq3A, %eq3A_7 : vector<200x1600xi32>
    %convert_element_type3A = arith.extui %eq3A_8 : vector<200x1600xi1> to vector<200x1600xi32>
    %convert_element_type3A_9 = arith.sitofp %convert_element_type3A : vector<200x1600xi32> to vector<200x1600xf32>
    %get3A_10 = arith.constant 0 : index
    %get3A_11 = arith.constant 0 : index
    %get3A_12 = vector.load %arg6[%get3A_10, %get3A_11] : memref<200x256xf32, #tpu.memory_space<vmem>>, vector<200x256xf32>
    %dot_general3A = arith.constant dense<0.000000e+00> : vector<1600x256xf32>
    %dot_general3A_13 = tpu.matmul %convert_element_type3A_9, %get3A_12, %dot_general3A {dimension_numbers = #tpu.dot_dimension_numbers<[0], [0], [1], [1], [0, 1, 1, 1], [], []>, transpose_lhs_hint = false} : vector<200x1600xf32>, vector<200x256xf32>, vector<1600x256xf32> -> vector<1600x256xf32>
    %slice3A = vector.extract_strided_slice %dot_general3A_13 {offsets = [0, 0], sizes = [1600, 128], strides = [1, 1]} : vector<1600x256xf32> to vector<1600x128xf32>
    %slice3A_14 = vector.extract_strided_slice %dot_general3A_13 {offsets = [0, 128], sizes = [1600, 16], strides = [1, 1]} : vector<1600x256xf32> to vector<1600x16xf32>
    %get3A_15 = arith.constant 0 : index
    %get3A_16 = arith.constant 0 : index
    %get3A_17 = vector.load %arg4[%get3A_15, %get3A_16] : memref<1600x128xf32, #tpu.memory_space<vmem>>, vector<1600x128xf32>
    %get3A_18 = arith.constant 0 : index
    %get3A_19 = arith.constant 0 : index
    %get3A_20 = vector.load %arg5[%get3A_18, %get3A_19] : memref<1600x128xf32, #tpu.memory_space<vmem>>, vector<1600x16xf32>
    %sub3A = arith.subf %get3A_20, %slice3A_14 : vector<1600x16xf32>
    %mul3A_21 = arith.mulf %sub3A, %sub3A : vector<1600x16xf32>
    %reduce_sum3A = arith.constant dense<0.000000e+00> : vector<1600xf32>
    %reduce_sum3A_22 = vector.multi_reduction <add>, %mul3A_21, %reduce_sum3A [1] : vector<1600x16xf32> to vector<1600xf32>
    %broadcast_in_dim3A = vector.shape_cast %reduce_sum3A_22 : vector<1600xf32> to vector<1600x1xf32>
    %add3A_23 = arith.constant 9.99999996E-13 : f32
    %add3A_24 = vector.broadcast %add3A_23 : f32 to vector<1600x1xf32>
    %add3A_25 = arith.addf %broadcast_in_dim3A, %add3A_24 : vector<1600x1xf32>
    %sqrt3A = math.sqrt %add3A_25 : vector<1600x1xf32>
    %get3A_26 = arith.constant 0 : index
    %get3A_27 = arith.constant 0 : index
    %get3A_28 = vector.load %arg10[%get3A_26, %get3A_27] : memref<1x32xf32, #tpu.memory_space<vmem>>, vector<1x32xf32>
    %sub3A_29 = vector.broadcast %sqrt3A : vector<1600x1xf32> to vector<1600x32xf32>
    %sub3A_30 = vector.broadcast %get3A_28 : vector<1x32xf32> to vector<1600x32xf32>
    %sub3A_31 = arith.subf %sub3A_29, %sub3A_30 : vector<1600x32xf32>
    %mul3A_32 = arith.constant -4.096000e+03 : f32
    %mul3A_33 = vector.broadcast %mul3A_32 : f32 to vector<1600x32xf32>
    %mul3A_34 = arith.mulf %mul3A_33, %sub3A_31 : vector<1600x32xf32>
    %mul3A_35 = arith.mulf %mul3A_34, %sub3A_31 : vector<1600x32xf32>
    %exp3A = math.exp %mul3A_35 : vector<1600x32xf32>
    %get3A_36 = arith.constant 0 : index
    %get3A_37 = arith.constant 0 : index
    %get3A_38 = vector.load %arg8[%get3A_36, %get3A_37] : memref<32x32xf32, #tpu.memory_space<vmem>>, vector<32x32xf32>
    %dot_general3A_39 = arith.constant dense<0.000000e+00> : vector<1600x32xf32>
    %dot_general3A_40 = tpu.matmul %exp3A, %get3A_38, %dot_general3A_39 {dimension_numbers = #tpu.dot_dimension_numbers<[1], [0], [0], [1], [0, 0, 1, 1], [], []>, transpose_lhs_hint = false} : vector<1600x32xf32>, vector<32x32xf32>, vector<1600x32xf32> -> vector<1600x32xf32>
    %get3A_41 = arith.constant 0 : index
    %get3A_42 = arith.constant 0 : index
    %get3A_43 = vector.load %arg9[%get3A_41, %get3A_42] : memref<1x32xf32, #tpu.memory_space<vmem>>, vector<1x32xf32>
    %add3A_44 = vector.broadcast %get3A_43 : vector<1x32xf32> to vector<1600x32xf32>
    %add3A_45 = arith.addf %dot_general3A_40, %add3A_44 : vector<1600x32xf32>
    %logistic3A = arith.negf %add3A_45 : vector<1600x32xf32>
    %logistic3A_46 = math.exp %logistic3A : vector<1600x32xf32>
    %logistic3A_47 = arith.constant 1.000000e+00 : f32
    %logistic3A_48 = vector.broadcast %logistic3A_47 : f32 to vector<1600x32xf32>
    %logistic3A_49 = arith.addf %logistic3A_48, %logistic3A_46 : vector<1600x32xf32>
    %logistic3A_50 = arith.divf %logistic3A_48, %logistic3A_49 : vector<1600x32xf32>
    %mul3A_51 = arith.mulf %add3A_45, %logistic3A_50 : vector<1600x32xf32>
    %get3A_52 = arith.constant 0 : index
    %get3A_53 = arith.constant 0 : index
    %get3A_54 = vector.load %arg11[%get3A_52, %get3A_53] : memref<32x128xf32, #tpu.memory_space<vmem>>, vector<32x128xf32>
    %dot_general3A_55 = arith.constant dense<0.000000e+00> : vector<1600x128xf32>
    %dot_general3A_56 = tpu.matmul %mul3A_51, %get3A_54, %dot_general3A_55 {dimension_numbers = #tpu.dot_dimension_numbers<[1], [0], [0], [1], [0, 0, 1, 1], [], []>, transpose_lhs_hint = false} : vector<1600x32xf32>, vector<32x128xf32>, vector<1600x128xf32> -> vector<1600x128xf32>
    %div3A = arith.constant 1.73205078 : f32
    %div3A_57 = vector.broadcast %div3A : f32 to vector<1600x1xf32>
    %div3A_58 = arith.divf %div3A_57, %sqrt3A : vector<1600x1xf32>
    %get3A_59 = arith.constant 0 : index
    %get3A_60 = arith.constant 0 : index
    %get3A_61 = vector.load %arg12[%get3A_59, %get3A_60] : memref<1x128xf32, #tpu.memory_space<vmem>>, vector<1x128xf32>
    %get3A_62 = arith.constant 0 : index
    %get3A_63 = arith.constant 0 : index
    %get3A_64 = vector.load %arg13[%get3A_62, %get3A_63] : memref<16x128xf32, #tpu.memory_space<vmem>>, vector<16x128xf32>
    %dot_general3A_65 = arith.constant dense<0.000000e+00> : vector<1600x128xf32>
    %dot_general3A_66 = tpu.matmul %sub3A, %get3A_64, %dot_general3A_65 {dimension_numbers = #tpu.dot_dimension_numbers<[1], [0], [0], [1], [0, 0, 1, 1], [], []>, transpose_lhs_hint = false} : vector<1600x16xf32>, vector<16x128xf32>, vector<1600x128xf32> -> vector<1600x128xf32>
    %mul3A_67 = vector.broadcast %div3A_58 : vector<1600x1xf32> to vector<1600x128xf32>
    %mul3A_68 = arith.mulf %mul3A_67, %dot_general3A_66 : vector<1600x128xf32>
    %add3A_69 = vector.broadcast %get3A_61 : vector<1x128xf32> to vector<1600x128xf32>
    %add3A_70 = arith.addf %add3A_69, %mul3A_68 : vector<1600x128xf32>
    %mul3A_71 = arith.mulf %get3A_17, %dot_general3A_56 : vector<1600x128xf32>
    %add3A_72 = arith.addf %mul3A_71, %add3A_70 : vector<1600x128xf32>
    %get3A_73 = arith.constant 0 : index
    %get3A_74 = arith.constant 0 : index
    %get3A_75 = vector.load %arg14[%get3A_73, %get3A_74] : memref<128x128xf32, #tpu.memory_space<vmem>>, vector<128x128xf32>
    %dot_general3A_76 = arith.constant dense<0.000000e+00> : vector<1600x128xf32>
    %dot_general3A_77 = tpu.matmul %add3A_72, %get3A_75, %dot_general3A_76 {dimension_numbers = #tpu.dot_dimension_numbers<[1], [0], [0], [1], [0, 0, 1, 1], [], []>, transpose_lhs_hint = false} : vector<1600x128xf32>, vector<128x128xf32>, vector<1600x128xf32> -> vector<1600x128xf32>
    %get3A_78 = arith.constant 0 : index
    %get3A_79 = arith.constant 0 : index
    %get3A_80 = vector.load %arg15[%get3A_78, %get3A_79] : memref<128x128xf32, #tpu.memory_space<vmem>>, vector<128x128xf32>
    %dot_general3A_81 = arith.constant dense<0.000000e+00> : vector<1600x128xf32>
    %dot_general3A_82 = tpu.matmul %add3A_72, %get3A_80, %dot_general3A_81 {dimension_numbers = #tpu.dot_dimension_numbers<[1], [0], [0], [1], [0, 0, 1, 1], [], []>, transpose_lhs_hint = false} : vector<1600x128xf32>, vector<128x128xf32>, vector<1600x128xf32> -> vector<1600x128xf32>
    %add3A_83 = arith.addf %slice3A, %dot_general3A_77 : vector<1600x128xf32>
    %ge3A = arith.constant 0.000000e+00 : f32
    %ge3A_84 = vector.broadcast %ge3A : f32 to vector<1600x128xf32>
    %ge3A_85 = arith.cmpf oge, %add3A_83, %ge3A_84 : vector<1600x128xf32>
    %mul3A_86 = arith.constant 2.000000e-01 : f32
    %mul3A_87 = vector.broadcast %mul3A_86 : f32 to vector<1600x128xf32>
    %mul3A_88 = arith.mulf %mul3A_87, %add3A_83 : vector<1600x128xf32>
    %select_n3A = arith.select %ge3A_85, %add3A_83, %mul3A_88 : vector<1600x128xi1>, vector<1600x128xf32>
    %get3A_89 = arith.constant 0 : index
    %get3A_90 = arith.constant 0 : index
    %get3A_91 = vector.load %arg16[%get3A_89, %get3A_90] : memref<128x8xf32, #tpu.memory_space<vmem>>, vector<128x8xf32>
    %dot_general3A_92 = arith.constant dense<0.000000e+00> : vector<1600x8xf32>
    %dot_general3A_93 = tpu.matmul %select_n3A, %get3A_91, %dot_general3A_92 {dimension_numbers = #tpu.dot_dimension_numbers<[1], [0], [0], [1], [0, 0, 1, 1], [], []>, transpose_lhs_hint = false} : vector<1600x128xf32>, vector<128x8xf32>, vector<1600x8xf32> -> vector<1600x8xf32>
    %exp3A_94 = math.exp %dot_general3A_93 : vector<1600x8xf32>
    %get3A_95 = arith.constant 0 : index
    %get3A_96 = arith.constant 0 : index
    %get3A_97 = vector.load %arg17[%get3A_95, %get3A_96] : memref<8x128xf32, #tpu.memory_space<vmem>>, vector<8x128xf32>
    %dot_general3A_98 = arith.constant dense<0.000000e+00> : vector<1600x128xf32>
    %dot_general3A_99 = tpu.matmul %exp3A_94, %get3A_97, %dot_general3A_98 {dimension_numbers = #tpu.dot_dimension_numbers<[1], [0], [0], [1], [0, 0, 1, 1], [], []>, transpose_lhs_hint = false} : vector<1600x8xf32>, vector<8x128xf32>, vector<1600x128xf32> -> vector<1600x128xf32>
    %mul3A_100 = arith.mulf %dot_general3A_82, %dot_general3A_99 : vector<1600x128xf32>
    %get3A_101 = arith.index_cast %arg0 : i32 to index
    %get3A_102 = memref.load %arg3[%get3A_101] : memref<150xi32, #tpu.memory_space<smem>>
    %convert_element_type3A_103 = arith.sitofp %get3A_102 : i32 to f32
    %dot_general3A_104 = arith.constant dense<0.000000e+00> : vector<200x128xf32>
    %dot_general3A_105 = tpu.matmul %convert_element_type3A_9, %mul3A_100, %dot_general3A_104 {dimension_numbers = #tpu.dot_dimension_numbers<[1], [0], [0], [1], [0, 0, 1, 1], [], []>, transpose_lhs_hint = false} : vector<200x1600xf32>, vector<1600x128xf32>, vector<200x128xf32> -> vector<200x128xf32>
    %mul3A_106 = vector.broadcast %convert_element_type3A_103 : f32 to vector<200x128xf32>
    %mul3A_107 = arith.mulf %dot_general3A_105, %mul3A_106 : vector<200x128xf32>
    %dot_general3A_108 = arith.constant dense<0.000000e+00> : vector<200x8xf32>
    %dot_general3A_109 = tpu.matmul %convert_element_type3A_9, %exp3A_94, %dot_general3A_108 {dimension_numbers = #tpu.dot_dimension_numbers<[1], [0], [0], [1], [0, 0, 1, 1], [], []>, transpose_lhs_hint = false} : vector<200x1600xf32>, vector<1600x8xf32>, vector<200x8xf32> -> vector<200x8xf32>
    %mul3A_110 = vector.broadcast %convert_element_type3A_103 : f32 to vector<200x8xf32>
    %mul3A_111 = arith.mulf %dot_general3A_109, %mul3A_110 : vector<200x8xf32>
    %concatenate3A = tpu.concatenate %mul3A_107, %mul3A_111 in 1 : vector<200x128xf32>, vector<200x8xf32> -> vector<200x136xf32>
    %sub3A_112 = arith.constant 1 : i32
    %sub3A_113 = arith.subi %arg0, %sub3A_112 : i32
    %max3A = arith.constant 0 : i32
    %max3A_114 = arith.maxsi %sub3A_113, %max3A : i32
    %eq3A_115 = arith.constant 0 : i32
    %eq3A_116 = arith.cmpi eq, %arg0, %eq3A_115 : i32
    %get3A_117 = arith.index_cast %arg0 : i32 to index
    %get3A_118 = memref.load %arg1[%get3A_117] : memref<150xi32, #tpu.memory_space<smem>>
    %get3A_119 = arith.index_cast %max3A_114 : i32 to index
    %get3A_120 = memref.load %arg1[%get3A_119] : memref<150xi32, #tpu.memory_space<smem>>
    %ne3A = arith.cmpi ne, %get3A_118, %get3A_120 : i32
    %or3A = arith.ori %eq3A_116, %ne3A : i1
    %convert_element_type3A_121 = arith.extui %or3A : i1 to i32
    %cond3A = arith.constant 0 : i32
    %cond3A_122 = arith.cmpi ne, %convert_element_type3A_121, %cond3A : i32
    scf.if %cond3A_122 {
      %swap3A = arith.constant 0 : index
      %swap3A_127 = arith.constant 0 : index
      %swap3A_128 = vector.load %arg18[%swap3A, %swap3A_127] : memref<200x136xf32, #tpu.memory_space<vmem>>, vector<200x136xf32>
      tpu.vector_store %arg18[%swap3A, %swap3A_127], %concatenate3A {strides = array<i32>} : memref<200x136xf32, #tpu.memory_space<vmem>>, vector<200x136xf32>,
    } else {
    }
    %not3A = arith.constant true
    %not3A_123 = arith.xori %or3A, %not3A : i1
    %convert_element_type3A_124 = arith.extui %not3A_123 : i1 to i32
    %cond3A_125 = arith.constant 0 : i32
    %cond3A_126 = arith.cmpi ne, %convert_element_type3A_124, %cond3A_125 : i32
    scf.if %cond3A_126 {
      %get3A_127 = arith.constant 0 : index
      %get3A_128 = arith.constant 0 : index
      %get3A_129 = vector.load %arg18[%get3A_127, %get3A_128] : memref<200x136xf32, #tpu.memory_space<vmem>>, vector<200x136xf32>
      %add3A_130 = arith.addf %get3A_129, %concatenate3A : vector<200x136xf32>
      %swap3A = arith.constant 0 : index
      %swap3A_131 = arith.constant 0 : index
      %swap3A_132 = vector.load %arg18[%swap3A, %swap3A_131] : memref<200x136xf32, #tpu.memory_space<vmem>>, vector<200x136xf32>
      tpu.vector_store %arg18[%swap3A, %swap3A_131], %add3A_130 {strides = array<i32>} : memref<200x136xf32, #tpu.memory_space<vmem>>, vector<200x136xf32>,
    } else {
    }
    return
  }
  func.func @transform_0(%arg0: i32, %arg1: memref<150xi32, #tpu.memory_space<smem>>, %arg2: memref<150xi32, #tpu.memory_space<smem>>, %arg3: memref<150xi32, #tpu.memory_space<smem>>) -> (i32, i32) {
    %get3A = arith.index_cast %arg0 : i32 to index
    %get3A_0 = memref.load %arg2[%get3A] : memref<150xi32, #tpu.memory_space<smem>>
    %c0_i32 = arith.constant 0 : i32
    %c0_i32_1 = arith.constant 0 : i32
    return %get3A_0, %c0_i32 : i32, i32
  }
  func.func @transform_1(%arg0: i32, %arg1: memref<150xi32, #tpu.memory_space<smem>>, %arg2: memref<150xi32, #tpu.memory_space<smem>>, %arg3: memref<150xi32, #tpu.memory_space<smem>>) -> (i32, i32) {
    %get3A = arith.index_cast %arg0 : i32 to index
    %get3A_0 = memref.load %arg2[%get3A] : memref<150xi32, #tpu.memory_space<smem>>
    %c0_i32 = arith.constant 0 : i32
    %c0_i32_1 = arith.constant 0 : i32
    return %get3A_0, %c0_i32 : i32, i32
  }
  func.func @transform_2(%arg0: i32, %arg1: memref<150xi32, #tpu.memory_space<smem>>, %arg2: memref<150xi32, #tpu.memory_space<smem>>, %arg3: memref<150xi32, #tpu.memory_space<smem>>) -> (i32, i32) {
    %get3A = arith.index_cast %arg0 : i32 to index
    %get3A_0 = memref.load %arg1[%get3A] : memref<150xi32, #tpu.memory_space<smem>>
    %c0_i32 = arith.constant 0 : i32
    %c0_i32_1 = arith.constant 0 : i32
    return %get3A_0, %c0_i32 : i32, i32
  }
  func.func @transform_3(%arg0: i32, %arg1: memref<150xi32, #tpu.memory_space<smem>>, %arg2: memref<150xi32, #tpu.memory_space<smem>>, %arg3: memref<150xi32, #tpu.memory_space<smem>>) -> (i32, i32, i32) {
    %get3A = arith.index_cast %arg0 : i32 to index
    %get3A_0 = memref.load %arg2[%get3A] : memref<150xi32, #tpu.memory_space<smem>>
    %c0_i32 = arith.constant 0 : i32
    %c0_i32_1 = arith.constant 0 : i32
    %c0_i32_2 = arith.constant 0 : i32
    return %get3A_0, %c0_i32, %c0_i32_1 : i32, i32, i32
  }
  func.func @transform_4(%arg0: i32, %arg1: memref<150xi32, #tpu.memory_space<smem>>, %arg2: memref<150xi32, #tpu.memory_space<smem>>, %arg3: memref<150xi32, #tpu.memory_space<smem>>) -> (i32, i32) {
    %c0_i32 = arith.constant 0 : i32
    %c0_i32_0 = arith.constant 0 : i32
    %c0_i32_1 = arith.constant 0 : i32
    return %c0_i32, %c0_i32_0 : i32, i32
  }
  func.func @transform_5(%arg0: i32, %arg1: memref<150xi32, #tpu.memory_space<smem>>, %arg2: memref<150xi32, #tpu.memory_space<smem>>, %arg3: memref<150xi32, #tpu.memory_space<smem>>) -> (i32, i32) {
    %c0_i32 = arith.constant 0 : i32
    %c0_i32_0 = arith.constant 0 : i32
    %c0_i32_1 = arith.constant 0 : i32
    return %c0_i32, %c0_i32_0 : i32, i32
  }
  func.func @transform_6(%arg0: i32, %arg1: memref<150xi32, #tpu.memory_space<smem>>, %arg2: memref<150xi32, #tpu.memory_space<smem>>, %arg3: memref<150xi32, #tpu.memory_space<smem>>) -> (i32, i32) {
    %c0_i32 = arith.constant 0 : i32
    %c0_i32_0 = arith.constant 0 : i32
    %c0_i32_1 = arith.constant 0 : i32
    return %c0_i32, %c0_i32_0 : i32, i32
  }
  func.func @transform_7(%arg0: i32, %arg1: memref<150xi32, #tpu.memory_space<smem>>, %arg2: memref<150xi32, #tpu.memory_space<smem>>, %arg3: memref<150xi32, #tpu.memory_space<smem>>) -> (i32, i32) {
    %c0_i32 = arith.constant 0 : i32
    %c0_i32_0 = arith.constant 0 : i32
    %c0_i32_1 = arith.constant 0 : i32
    return %c0_i32, %c0_i32_0 : i32, i32
  }
  func.func @transform_8(%arg0: i32, %arg1: memref<150xi32, #tpu.memory_space<smem>>, %arg2: memref<150xi32, #tpu.memory_space<smem>>, %arg3: memref<150xi32, #tpu.memory_space<smem>>) -> (i32, i32) {
    %c0_i32 = arith.constant 0 : i32
    %c0_i32_0 = arith.constant 0 : i32
    %c0_i32_1 = arith.constant 0 : i32
    return %c0_i32, %c0_i32_0 : i32, i32
  }
  func.func @transform_9(%arg0: i32, %arg1: memref<150xi32, #tpu.memory_space<smem>>, %arg2: memref<150xi32, #tpu.memory_space<smem>>, %arg3: memref<150xi32, #tpu.memory_space<smem>>) -> (i32, i32) {
    %c0_i32 = arith.constant 0 : i32
    %c0_i32_0 = arith.constant 0 : i32
    %c0_i32_1 = arith.constant 0 : i32
    return %c0_i32, %c0_i32_0 : i32, i32
  }
  func.func @transform_10(%arg0: i32, %arg1: memref<150xi32, #tpu.memory_space<smem>>, %arg2: memref<150xi32, #tpu.memory_space<smem>>, %arg3: memref<150xi32, #tpu.memory_space<smem>>) -> (i32, i32) {
    %c0_i32 = arith.constant 0 : i32
    %c0_i32_0 = arith.constant 0 : i32
    %c0_i32_1 = arith.constant 0 : i32
    return %c0_i32, %c0_i32_0 : i32, i32
  }
  func.func @transform_11(%arg0: i32, %arg1: memref<150xi32, #tpu.memory_space<smem>>, %arg2: memref<150xi32, #tpu.memory_space<smem>>, %arg3: memref<150xi32, #tpu.memory_space<smem>>) -> (i32, i32) {
    %c0_i32 = arith.constant 0 : i32
    %c0_i32_0 = arith.constant 0 : i32
    %c0_i32_1 = arith.constant 0 : i32
    return %c0_i32, %c0_i32_0 : i32, i32
  }
  func.func @transform_12(%arg0: i32, %arg1: memref<150xi32, #tpu.memory_space<smem>>, %arg2: memref<150xi32, #tpu.memory_space<smem>>, %arg3: memref<150xi32, #tpu.memory_space<smem>>) -> (i32, i32) {
    %c0_i32 = arith.constant 0 : i32
    %c0_i32_0 = arith.constant 0 : i32
    %c0_i32_1 = arith.constant 0 : i32
    return %c0_i32, %c0_i32_0 : i32, i32
  }
  func.func @transform_13(%arg0: i32, %arg1: memref<150xi32, #tpu.memory_space<smem>>, %arg2: memref<150xi32, #tpu.memory_space<smem>>, %arg3: memref<150xi32, #tpu.memory_space<smem>>) -> (i32, i32) {
    %c0_i32 = arith.constant 0 : i32
    %c0_i32_0 = arith.constant 0 : i32
    %c0_i32_1 = arith.constant 0 : i32
    return %c0_i32, %c0_i32_0 : i32, i32
  }
  func.func @transform_14(%arg0: i32, %arg1: memref<150xi32, #tpu.memory_space<smem>>, %arg2: memref<150xi32, #tpu.memory_space<smem>>, %arg3: memref<150xi32, #tpu.memory_space<smem>>) -> (i32, i32) {
    %get3A = arith.index_cast %arg0 : i32 to index
    %get3A_0 = memref.load %arg1[%get3A] : memref<150xi32, #tpu.memory_space<smem>>
    %c0_i32 = arith.constant 0 : i32
    %c0_i32_1 = arith.constant 0 : i32
    return %get3A_0, %c0_i32 : i32, i32
  }
}

module attributes {stable_mosaic.version = 14 : i64} {
  func.func @_final_body(%arg0: i32, %arg1: memref<1000x136xf32, #tpu.memory_space<vmem>>, %arg2: memref<1000x136xf32, #tpu.memory_space<vmem>>, %arg3: memref<1000x128xf32, #tpu.memory_space<vmem>>, %arg4: memref<128x128xf32, #tpu.memory_space<vmem>>, %arg5: memref<8x128xf32, #tpu.memory_space<vmem>>, %arg6: memref<1000x128xf32, #tpu.memory_space<vmem>>) attributes {dimension_semantics = [#tpu.dimension_semantics<arbitrary>], iteration_bounds = array<i64: 10>, scalar_prefetch = 0 : i64, scratch_operands = 0 : i64, tpu.core_type = #tpu.core_type<tc>, window_params = [{transform_indices = @transform_0, window_bounds = array<i64: 1000, 136>}, {transform_indices = @transform_1, window_bounds = array<i64: 1000, 136>}, {transform_indices = @transform_2, window_bounds = array<i64: 1000, 128>}, {pipeline_mode = #tpu.pipeline_mode<synchronous>, transform_indices = @transform_3, window_bounds = array<i64: 128, 128>}, {pipeline_mode = #tpu.pipeline_mode<synchronous>, transform_indices = @transform_4, window_bounds = array<i64: 8, 128>}, {transform_indices = @transform_5, window_bounds = array<i64: 1000, 128>}]} {
    %get3A = arith.constant 0 : index
    %get3A_0 = arith.constant 0 : index
    %get3A_1 = vector.load %arg1[%get3A, %get3A_0] : memref<1000x136xf32, #tpu.memory_space<vmem>>, vector<1000x136xf32>
    %get3A_2 = arith.constant 0 : index
    %get3A_3 = arith.constant 0 : index
    %get3A_4 = vector.load %arg2[%get3A_2, %get3A_3] : memref<1000x136xf32, #tpu.memory_space<vmem>>, vector<1000x136xf32>
    %slice3A = vector.extract_strided_slice %get3A_1 {offsets = [0, 0], sizes = [1000, 128], strides = [1, 1]} : vector<1000x136xf32> to vector<1000x128xf32>
    %slice3A_5 = vector.extract_strided_slice %get3A_4 {offsets = [0, 0], sizes = [1000, 128], strides = [1, 1]} : vector<1000x136xf32> to vector<1000x128xf32>
    %add3A = arith.addf %slice3A, %slice3A_5 : vector<1000x128xf32>
    %slice3A_6 = vector.extract_strided_slice %get3A_1 {offsets = [0, 128], sizes = [1000, 8], strides = [1, 1]} : vector<1000x136xf32> to vector<1000x8xf32>
    %slice3A_7 = vector.extract_strided_slice %get3A_4 {offsets = [0, 128], sizes = [1000, 8], strides = [1, 1]} : vector<1000x136xf32> to vector<1000x8xf32>
    %add3A_8 = arith.addf %slice3A_6, %slice3A_7 : vector<1000x8xf32>
    %get3A_9 = arith.constant 0 : index
    %get3A_10 = arith.constant 0 : index
    %get3A_11 = vector.load %arg5[%get3A_9, %get3A_10] : memref<8x128xf32, #tpu.memory_space<vmem>>, vector<8x128xf32>
    %dot_general3A = arith.constant dense<0.000000e+00> : vector<1000x128xf32>
    %dot_general3A_12 = tpu.matmul %add3A_8, %get3A_11, %dot_general3A {dimension_numbers = #tpu.dot_dimension_numbers<[1], [0], [0], [1], [0, 0, 1, 1], [], []>, transpose_lhs_hint = false} : vector<1000x8xf32>, vector<8x128xf32>, vector<1000x128xf32> -> vector<1000x128xf32>
    %add3A_13 = arith.constant 9.99999971E-10 : f32
    %add3A_14 = vector.broadcast %add3A_13 : f32 to vector<1000x128xf32>
    %add3A_15 = arith.addf %dot_general3A_12, %add3A_14 : vector<1000x128xf32>
    %div3A = arith.divf %add3A, %add3A_15 : vector<1000x128xf32>
    %get3A_16 = arith.constant 0 : index
    %get3A_17 = arith.constant 0 : index
    %get3A_18 = vector.load %arg4[%get3A_16, %get3A_17] : memref<128x128xf32, #tpu.memory_space<vmem>>, vector<128x128xf32>
    %dot_general3A_19 = arith.constant dense<0.000000e+00> : vector<1000x128xf32>
    %dot_general3A_20 = tpu.matmul %div3A, %get3A_18, %dot_general3A_19 {dimension_numbers = #tpu.dot_dimension_numbers<[1], [0], [0], [1], [0, 0, 1, 1], [], []>, transpose_lhs_hint = false} : vector<1000x128xf32>, vector<128x128xf32>, vector<1000x128xf32> -> vector<1000x128xf32>
    %get3A_21 = arith.constant 0 : index
    %get3A_22 = arith.constant 0 : index
    %get3A_23 = vector.load %arg3[%get3A_21, %get3A_22] : memref<1000x128xf32, #tpu.memory_space<vmem>>, vector<1000x128xf32>
    %add3A_24 = arith.addf %dot_general3A_20, %get3A_23 : vector<1000x128xf32>
    %swap3A = arith.constant 0 : index
    %swap3A_25 = arith.constant 0 : index
    %swap3A_26 = vector.load %arg6[%swap3A, %swap3A_25] : memref<1000x128xf32, #tpu.memory_space<vmem>>, vector<1000x128xf32>
    tpu.vector_store %arg6[%swap3A, %swap3A_25], %add3A_24 {strides = array<i32>} : memref<1000x128xf32, #tpu.memory_space<vmem>>, vector<1000x128xf32>,
    return
  }
  func.func @transform_0(%arg0: i32) -> (i32, i32) {
    %c0_i32 = arith.constant 0 : i32
    %c0_i32_0 = arith.constant 0 : i32
    return %arg0, %c0_i32 : i32, i32
  }
  func.func @transform_1(%arg0: i32) -> (i32, i32) {
    %c0_i32 = arith.constant 0 : i32
    %c0_i32_0 = arith.constant 0 : i32
    return %arg0, %c0_i32 : i32, i32
  }
  func.func @transform_2(%arg0: i32) -> (i32, i32) {
    %c0_i32 = arith.constant 0 : i32
    %c0_i32_0 = arith.constant 0 : i32
    return %arg0, %c0_i32 : i32, i32
  }
  func.func @transform_3(%arg0: i32) -> (i32, i32) {
    %c0_i32 = arith.constant 0 : i32
    %c0_i32_0 = arith.constant 0 : i32
    %c0_i32_1 = arith.constant 0 : i32
    return %c0_i32, %c0_i32_0 : i32, i32
  }
  func.func @transform_4(%arg0: i32) -> (i32, i32) {
    %c0_i32 = arith.constant 0 : i32
    %c0_i32_0 = arith.constant 0 : i32
    %c0_i32_1 = arith.constant 0 : i32
    return %c0_i32, %c0_i32_0 : i32, i32
  }
  func.func @transform_5(%arg0: i32) -> (i32, i32) {
    %c0_i32 = arith.constant 0 : i32
    %c0_i32_0 = arith.constant 0 : i32
    return %arg0, %c0_i32 : i32, i32
  }
}

</mosaic_0001>

<sc_bundles>
// kernel: kernel.11.cloned.1.call-start
scs
__scs_entry_jumppad:
0x0: {  	(pc) =	sbr.rel $0x88, $3  }
0x1: {  	(tag) =	ssettag $0x0;
	lr =	simm.s32 $0x1  }
0x2: {  	[smem:$0x3F8C] =	sst lr;
	_ =	strace $0xD0000000  }
0x3: {  	_ = 	snop  }
0x4: {  	_ = 	snop  }
0x5: {  	_ = 	snop  }
0x6: {  	_ = 	snop  }
0x7: {  	_ = 	snop  }
__scs_overlays_trampoline_lowered:
0x8: {  	[smem:$0x3F9B] =	sst s0  }
0x9: {  	[smem:$0x3F9C] =	sst s1  }
0xa: {  	[smem:$0x3F9D] =	sst s2  }
0xb: {  	[smem:$0x3F9E] =	sst s3  }
0xc: {  	[smem:$0x3F9F] =	sst s4  }
0xd: {  	[smem:$0x3FA0] =	sst s5  }
0xe: {  	[smem:$0x3FA1] =	sst s6  }
0xf: {  	[smem:$0x3FA2] =	sst s7  }
0x10: {  	[smem:$0x3FA3] =	sst s8  }
0x11: {  	[smem:$0x3FA4] =	sst s9;
	s0 =	simm.s32 @!p0 $0x0  }
0x12: {  	s1 =	sld [smem:$0x3F8A];
	s0 =	simm.s32 @p0 $0x1  }
0x13: {  	[smem:$0x3FA5] =	sst s0;
	s0 =	simm.s32 @!p1 $0x0  }
0x14: {  	s2 =	sld [smem:$0x3F89];
	s0 =	simm.s32 @p1 $0x1  }
0x15: {  	[smem:$0x3FA6] =	sst s0;
	s0 =	simm.s32 @!p2 $0x0  }
0x16: {  	s3 =	sld [smem:$0x3FDB];
	s0 =	simm.s32 @p2 $0x1  }
0x17: {  	s4 =	simm.s32 $0x1BF5;
	[smem:$0x3FA8] =	sst s0  }
0x18: {  	s0 =	sld [smem:$0x3F8B];
	_ =	swait.ge [sflag:s4], $0x0  }
0x19: {  	s7 =	sld [smem:$0x3F8C]  }
0x1a: {  	s8 =	sadd.s32 $0xFFFFE003, lr  }
0x1b: {  	s9 =	sadd.s32 $0xFFFFFEF7, lr;
	s5 =	simm.s32 $0xFFFFFFFF;
	p2 =	slt.u32 s8, $0xFFFFF086  }
0x1c: {  	p1 =	slt.u32 s9, $0xF7A;
	s5 =	simm.s32 @!p2 $0x0  }
0x1d: {  	s5 =	simm.s32 @p1 $0x1;
	p0 =	seq.s32 s7, s2  }
0x1e: {  	s7 =	smul.u32 @!p0 $0xF7A, s2;
	p2 =	seq.s32 @!p0 s5, $0x0  }
0x1f: {  	s9 =	smul.u32 $0xF7A, s1;
	s8 =	simm.s32 @!p0 $0x1BF5;
	p2 =	por !p2, p0  }
0x20: {  	[sflag:s8] =	ssyncset.s32 @!p0 $0xFFFFF086;
	s6 =	sadd.s32 @!p0 s3, s7;
	s7 =	simm.s32 @!p0 $0x108  }
0x21: {  	s3 =	sadd.s32 s3, s9;
	s6 =	sadd.s32 @!p0 $0x88, s6;
	s7 =	simm.s32 @p2 $0x1082  }
0x22: {  	[simem:s7], [sflag:s8] =	dma.local @!p0 [hbm:s6], $0xF7A  }
0x23: {  	s9 =	sor.u32 $0xD0000000, s2;
	s6 =	simm.s32 $0x108;
	_ =	swait.ge @!p0 [sflag:s8], $0x0  }
0x24: {  	s3 =	sadd.s32 $0x88, s3;
	s6 =	simm.s32 @!p1 $0x1082;
	[sflag:s4] =	ssyncset.s32 $0xFFFFF086  }
0x25: {  	[simem:s6], [sflag:s4] =	dma.local [hbm:s3], $0xF7A  }
0x26: {  	[smem:$0x3F8C] =	sst s1;
	(tag) =	ssettag s2;
	_ =	strace s9  }
0x27: {  	s1 =	sld [smem:$0x3F9C]  }
0x28: {  	s2 =	sld [smem:$0x3F9D]  }
0x29: {  	s4 =	sld [smem:$0x3F9F]  }
0x2a: {  	p0 =	seq.s32 s5, $0x0;
	s5 =	sld [smem:$0x3FA0]  }
0x2b: {  	s6 =	sld [smem:$0x3FA1]  }
0x2c: {  	s7 =	sld [smem:$0x3FA2]  }
0x2d: {  	s3 =	simm.s32 $0x108;
	s8 =	sld [smem:$0x3FA3]  }
0x2e: {  	s3 =	simm.s32 @!p0 $0x1082;
	s9 =	sld [smem:$0x3FA4]  }
0x2f: {  	lr =	sadd.s32 s0, s3;
	s0 =	sld [smem:$0x3F9B]  }
0x30: {  	s3 =	sld [smem:$0x3F9E]  }
0x31: {  	[smem:$0x3FA7] =	sst s10  }
0x32: {  	s10 =	sld [smem:$0x3FA5];
	_ =	sdelay $0x3  }
0x33: {  	p0 =	seq.s32 s10, $0x1;
	s10 =	sld [smem:$0x3FA7];
	_ =	sdelay $0x3  }
0x34: {  	[smem:$0x3FA7] =	sst s10  }
0x35: {  	s10 =	sld [smem:$0x3FA6];
	_ =	sdelay $0x3  }
0x36: {  	p1 =	seq.s32 s10, $0x1;
	s10 =	sld [smem:$0x3FA7];
	_ =	sdelay $0x3  }
0x37: {  	[smem:$0x3FA7] =	sst s10  }
0x38: {  	s10 =	sld [smem:$0x3FA8]  }
0x39: {  	_ = 	snop;
	(pc) =	sbr.ind lr, $3  }
0x3a: {  	_ = 	snop  }
0x3b: {  	_ = 	snop  }
0x3c: {  	p2 =	seq.s32 s10, $0x1;
	s10 =	sld [smem:$0x3FA7]  }
0x3d: {  	_ =	shalt  }
0x3e: {  	_ =	shalt  }
0x3f: {  	_ =	shalt  }
0x40: {  	_ =	shalt  }
0x41: {  	_ =	shalt  }
0x42: {  	_ =	shalt  }
0x43: {  	_ =	shalt  }
0x44: {  	_ =	shalt  }
0x45: {  	_ =	shalt  }
0x46: {  	_ =	shalt  }
0x47: {  	_ =	shalt  }
0x48: {  	_ =	shalt  }
0x49: {  	_ =	shalt  }
0x4a: {  	_ =	shalt  }
0x4b: {  	_ =	shalt  }
0x4c: {  	_ =	shalt  }
0x4d: {  	_ =	shalt  }
0x4e: {  	_ =	shalt  }
0x4f: {  	_ =	shalt  }
0x50: {  	_ =	shalt  }
0x51: {  	_ =	shalt  }
0x52: {  	_ =	shalt  }
0x53: {  	_ =	shalt  }
0x54: {  	_ =	shalt  }
0x55: {  	_ =	shalt  }
0x56: {  	_ =	shalt  }
0x57: {  	_ =	shalt  }
0x58: {  	_ =	shalt  }
0x59: {  	_ =	shalt  }
0x5a: {  	_ =	shalt  }
0x5b: {  	_ =	shalt  }
0x5c: {  	_ =	shalt  }
0x5d: {  	_ =	shalt  }
0x5e: {  	_ =	shalt  }
0x5f: {  	_ =	shalt  }
0x60: {  	_ =	shalt  }
0x61: {  	_ =	shalt  }
0x62: {  	_ =	shalt  }
0x63: {  	_ =	shalt  }
0x64: {  	_ =	shalt  }
0x65: {  	_ =	shalt  }
0x66: {  	_ =	shalt  }
0x67: {  	_ =	shalt  }
0x68: {  	_ =	shalt  }
0x69: {  	_ =	shalt  }
0x6a: {  	_ =	shalt  }
0x6b: {  	_ =	shalt  }
0x6c: {  	_ =	shalt  }
0x6d: {  	_ =	shalt  }
0x6e: {  	_ =	shalt  }
0x6f: {  	_ =	shalt  }
0x70: {  	_ =	shalt  }
0x71: {  	_ =	shalt  }
0x72: {  	_ =	shalt  }
0x73: {  	_ =	shalt  }
0x74: {  	_ =	shalt  }
0x75: {  	_ =	shalt  }
0x76: {  	_ =	shalt  }
0x77: {  	_ =	shalt  }
0x78: {  	_ =	shalt  }
0x79: {  	_ =	shalt  }
0x7a: {  	_ =	shalt  }
0x7b: {  	_ =	shalt  }
0x7c: {  	_ =	shalt  }
0x7d: {  	_ =	shalt  }
0x7e: {  	_ =	shalt  }
0x7f: {  	_ =	shalt  }
0x80: {  	_ =	shalt  }
0x81: {  	_ =	shalt  }
0x82: {  	_ =	shalt  }
0x83: {  	_ =	shalt  }
0x84: {  	_ =	shalt  }
0x85: {  	_ =	shalt  }
0x86: {  	_ =	shalt  }
0x87: {  	_ =	shalt  }
.Lfunc_end0:
.L_simem_size_0:
called_computation.1_lowered:
.L_overlay_start_0:
0x88: {  	s2 =	sld [smem:$0x3FD9]  }
0x89: {  	s3 =	sld [smem:$0x3FFE];
	_ =	sdelay $0x1  }
0x8a: {  	s1 =	srdreg.scid  }
0x8b: {  	s0 =	sand.u32 $0x1, s1  }
0x8c: {  	s17 =	sshll.u32 s0, $0xA;
	s2 =	sadd.s32 s3, s2  }
0x8d: {  	s2 =	sadd.s32 s2, s17  }
0x8e: {  	[smem:$0x3FB3] =	sst s2  }
0x8f: {  	_ = 	snop  }
0x90: {  	s2 =	sld [smem:$0x3FC4]  }
0x91: {  	s18 =	sld [smem:$0x3FC1];
	(tm) =	ssettm $0x1  }
0x92: {  	s4 =	sld [smem:$0x3FFB];
	_ =	sdelay $0x3  }
0x93: {  	_ =	strace s4  }
0x94: {  	s4 =	sld [smem:$0x3FFC];
	_ =	sdelay $0x3  }
0x95: {  	_ =	strace s4  }
0x96: {  	s4 =	sld [smem:$0x3FFD];
	_ =	sdelay $0x3  }
0x97: {  	_ =	strace s4  }
0x98: {  	_ =	strace $0x8FFFFFFF  }
0x99: {  	s19 =	sld [smem:$0x3FDB];
	_ =	sdelay $0x1  }
0x9a: {  	s5 =	simm.s32 $_scs_section_size  }
0x9b: {  	s6 =	simm.s32 $_size__tile_overlayer_lowered;
	s7 =	simm.s32 $_tile_overlayer_lowered  }
0x9c: {  	s22 =	simm.s32 $0x1BFF;
	s21 =	sshll.u32 s7, $0x1;
	s4 =	sadd.s32 s5, s19  }
0x9d: {  	s8 =	simm.s32 $0x0;
	s20 =	sshll.u32 s6, $0x1;
	s6 =	sadd.s32 s21, s4  }
0x9e: {  	[timem:s8], [sflag:s22] =	dma.local [hbm:s6], s20  }
0x9f: {  	_ =	swait.ge [sflag:s22], s20  }
0xa0: {  	s5 =	ssub.s32 $0x0, s20;
	[sflag:s22] =	ssyncset.done $0x0  }
0xa1: {  	[sflag:s22] =	ssyncadd.s32 s5;
	_ =	sdelay $0x1  }
0xa2: {  	s23 =	simm.s32 $0x1B8B  }
0xa3: {  	_ =	swait.ge [sflag:s23], $0x1  }
0xa4: {  	[sflag:s23] =	ssyncset.done $0x0  }
0xa5: {  	s25 =	simm.s32 $0x1B8E;
	s24 =	sld [smem:$0x3FFE];
	[sflag:s23] =	ssyncadd.s32 $0xFFFFFFFF  }
0xa6: {  	s26 =	simm.s32 $execute0_lowered;
	[smem:$0x3FD2] =	sst s25  }
0xa7: {  	s6 =	sshll.u32 s26, $0x1;
	_ =	strace $0x80000046;
	[dreg:$0x1] =	wrdreg $0xFFFFFFFF  }
0xa8: {  	s28 =	simm.s32 $_size_execute0_lowered;
	s4 =	sadd.s32 s4, s6;
	[dreg:$0x0] =	wrdreg $0x0  }
0xa9: {  	s6 =	sshll.u32 s28, $0x1;
	[dreg:$0x2] =	wrdreg s4  }
0xaa: {  	[dreg:$0x3] =	wrdreg s6  }
0xab: {  	[dreg:$0x4] =	wrdreg $0xC0  }
0xac: {  	_ =	task [dreg:s8], $0x5FFFF  }
0xad: {  	[dreg:$0x1] =	wrdreg $0xFFFFFFFF  }
0xae: {  	[dreg:$0x0] =	wrdreg $0x60  }
0xaf: {  	[dreg:$0x2] =	wrdreg s2  }
0xb0: {  	[dreg:$0x3] =	wrdreg s24  }
0xb1: {  	[dreg:$0x4] =	wrdreg s18  }
0xb2: {  	[dreg:$0x5] =	wrdreg $0xA  }
0xb3: {  	_ =	task.clear_ibuf [dreg:s8], $0x6FFFF;
	_ =	strace $0x90000046  }
0xb4: {  	s29 =	simm.s32 $0xA;
	_ =	strace $0x80000048  }
0xb5: {  	_ =	swait.ge [sflag:s29], $0x1  }
0xb6: {  	[sflag:s29] =	ssyncadd.s32 $0xFFFFFFFF  }
0xb7: {  	_ =	strace $0x90000048  }
0xb8: {  	_ =	sfence  }
0xb9: {  	s30 =	sld [smem:$0x0];
	_ =	sdelay $0x2  }
0xba: {  	s31 =	sshll.u32 s1, $0xD;
	s1 =	sshrl.u32 s1, $0x2  }
0xbb: {  	s3 =	sand.u32 $0x4000, s31;
	s1 =	sadd.s32 s1, s30  }
0xbc: {  	s0 =	sor.u32 s3, s0;
	s1 =	sshll.u32 s1, $0x11  }
0xbd: {  	s0 =	sor.u32 s1, s0  }
0xbe: {  	s0 =	sadd.s32 $0x8F2B, s0  }
0xbf: {  	[sflag:s0] =	ssyncadd.remote.s32 $0x1  }
0xc0: {  	_ =	sfence.sel $0xFFFF  }
0xc1: {  	[dreg:$0x0] =	wrdreg $0xFFFFFFFF;
	(pc) =	sbr.abs _section_cstart, $3  }
0xc2: {  	[dreg:$0x1] =	wrdreg $0xFFFFFFFF  }
0xc3: {  	_ =	task.clear_ibuf [dreg:s8], $0x2FFFF;
	_ =	strace $0x9FFFFFFF  }
0xc4: {  	(tm) =	ssettm $0x7FFFFFFF  }
0xc5: {  	_ =	shalt  }
tec
execute0_lowered:
.L_overlay_start_1:
0x0: {  	(tag) =	ssettag $0x1  }
0x1: {  	s1 =	rddreg [dreg:$0x0]  }
0x2: {  	s2 =	rddreg [dreg:$0x1]  }
0x3: {  	s6 =	rddreg [dreg:$0x2];
	s3 =	srdreg.scid  }
0x4: {  	s0 =	rddreg [dreg:$0x3];
	s4 =	simm.s32 $0x0;
	s7 =	sand.u32 $0x1, s3  }
0x5: {  	[smem:$0x7FF] =	sst s4;
	s3 =	stileid.u32;
	s5 =	ssub.s32 $0x2, s7  }
0x6: {  	_ =	strace $0x80000047;
	s8 =	sshll.u32 s3, $0xC;
	s10 =	sshll.u32 s3, $0x5  }
0x7: {  	s11 =	sshll.u32 s7, $0xB;
	s7 =	sshll.u32 s7, $0x4;
	s9 =	sshrl.u32 s5, $0x1  }
0x8: {  	s8 =	sadd.s32 s8, s2;
	s10 =	sadd.s32 s10, s6;
	s9 =	ssub.s32 s5, s9  }
0x9: {  	s5 =	sshll.u32 s3, $0x1;
	s31 =	sadd.s32 s11, s8;
	s7 =	sadd.s32 s7, s10  }
0xa: {  	s6 =	smax.u32 s9, $0x1;
	s8 =	sadd.s32 $0x334600, s31;
	s9 =	sadd.s32 $0xC3600, s31  }
.LBB2_1:
0xb: {  	p0 =	sgt.u32 s5, $0x4E1  }
0xc: {  	s11 =	simm.s32 @!p0 $0x0;
	s12 =	simm.s32 @!p0 $0x3  }
0xd: {  	[tilespmem:s11], [sflag:$0x3] =	stream.linear.gather @!p0 [hbm4b:s7+s11], $0x80, $0x38;
	[tilespmem:$0x8080] =	vst v63  }
0xe: {  	_ =	swait.ge @!p0 [sflag:s12], $0x80  }
0xf: {  	[sflag:s12] =	ssyncset.done @!p0 $0x0;
	p0 =	por p0, p0  }
0x10: {  	[sflag:s12] =	ssyncadd.s32 @!p0 $0xFFFFFF80;
	s10 =	simm.s32 @!p0 $0x80;
	s13 =	simm.s32 @!p0 $0x1  }
0x11: {  	[tilespmem:s10], [sflag:$0x1] =	stream.indirect.gather @!p0 [hbm4b:s1+s10], $0x80, s11, s10, $0xb8;
	[tilespmem:$0x8080] =	vst v63  }
0x12: {  	_ =	swait.ge @!p0 [sflag:s13], $0x4000  }
0x13: {  	[sflag:s13] =	ssyncset.done @!p0 $0x0  }
0x14: {  	s15 =	simm.s32 @!p0 $0x4080;
	[sflag:s13] =	ssyncadd.s32 @!p0 $0xFFFFC000  }
0x15: {  	[tilespmem:s15], [sflag:$0x1] =	stream.indirect.gather @!p0 [hbm4b:s2+s10], $0x80, s11, s10, $0xb8;
	[tilespmem:$0x8080] =	vst v63  }
0x16: {  	_ =	swait.ge @!p0 [sflag:s13], $0x4000  }
0x17: {  	[sflag:s13] =	ssyncset.done @!p0 $0x0  }
0x18: {  	[sflag:s13] =	ssyncadd.s32 @!p0 $0xFFFFC000;
	s13 =	sadd.s32 @!p0 $0x0, s9  }
0x19: {  	[hbm4b:s13+s11] =	stream.linear.scatter @!p0 [tilespmem:s10], [sflag:$0x3], $0x4000, $0x38;
	[tilespmem:$0x8080] =	vst v63  }
0x1a: {  	_ =	swait.ge @!p0 [sflag:s12], $0x4000  }
0x1b: {  	s14 =	simm.s32 @!p0 $0x2;
	[sflag:s12] =	ssyncset.done @!p0 $0x0  }
0x1c: {  	s13 =	sadd.s32 $0x20, s5;
	[sflag:s12] =	ssyncadd.s32 @!p0 $0xFFFFC000;
	s12 =	sadd.s32 @!p0 $0x0, s8  }
0x1d: {  	[hbm4b:s12+s11] =	stream.linear.scatter @!p0 [tilespmem:s15], [sflag:$0x2], $0x4000, $0x38;
	[tilespmem:$0x8080] =	vst v63  }
0x1e: {  	s10 =	simm.s32 $0x10000;
	p2 =	sgt.u32 s13, $0x4E1;
	_ =	swait.ge @!p0 [sflag:s14], $0x4000  }
0x1f: {  	s11 =	simm.s32 $0x20000;
	s12 =	sadd.s32 $0x200, s7;
	[sflag:s14] =	ssyncset.done @!p0 $0x0  }
.LBB2_2:
0x20: {  	s15 =	simm.s32 @!p2 $0x0;
	s16 =	simm.s32 @!p2 $0x3;
	[sflag:s14] =	ssyncadd.s32 @!p0 $0xFFFFC000  }
0x21: {  	[tilespmem:s15], [sflag:$0x3] =	stream.linear.gather @!p2 [hbm4b:s12+s15], $0x80, $0x38;
	[tilespmem:$0x8080] =	vst v63  }
0x22: {  	s17 =	smov.u32 s11;
	s11 =	sadd.s32 $0x10000, s11;
	_ =	swait.ge @!p2 [sflag:s16], $0x80  }
0x23: {  	p0 =	por p2, p2;
	p1 =	sne.s32 s11, $0x280000;
	[sflag:s16] =	ssyncset.done @!p2 $0x0  }
0x24: {  	s14 =	simm.s32 @!p0 $0x80;
	s18 =	simm.s32 @!p0 $0x1;
	[sflag:s16] =	ssyncadd.s32 @!p0 $0xFFFFFF80  }
0x25: {  	[tilespmem:s14], [sflag:$0x1] =	stream.indirect.gather @!p0 [hbm4b:s1+s14], $0x80, s15, s14, $0xb8;
	[tilespmem:$0x8080] =	vst v63  }
0x26: {  	_ =	swait.ge @!p0 [sflag:s18], $0x4000  }
0x27: {  	[sflag:s18] =	ssyncset.done @!p0 $0x0  }
0x28: {  	s19 =	simm.s32 @!p0 $0x4080;
	[sflag:s18] =	ssyncadd.s32 @!p0 $0xFFFFC000  }
0x29: {  	[tilespmem:s19], [sflag:$0x1] =	stream.indirect.gather @!p0 [hbm4b:s2+s14], $0x80, s15, s14, $0xb8;
	[tilespmem:$0x8080] =	vst v63  }
0x2a: {  	_ =	swait.ge @!p0 [sflag:s18], $0x4000  }
0x2b: {  	[sflag:s18] =	ssyncset.done @!p0 $0x0  }
0x2c: {  	[sflag:s18] =	ssyncadd.s32 @!p0 $0xFFFFC000;
	s18 =	sadd.s32 @!p0 s10, s9  }
0x2d: {  	[hbm4b:s18+s15] =	stream.linear.scatter @!p0 [tilespmem:s14], [sflag:$0x3], $0x4000, $0x38;
	[tilespmem:$0x8080] =	vst v63  }
0x2e: {  	_ =	swait.ge @!p0 [sflag:s16], $0x4000  }
.Ltmp0:
0x2f: {  	[sflag:s16] =	ssyncset.done @!p0 $0x0;
	(pc) =	sbr.rel @p1 .LBB2_2-.Ltmp0, $4  }
0x30: {  	s10 =	sadd.s32 @!p0 s10, s8;
	s14 =	simm.s32 @!p0 $0x2;
	[sflag:s16] =	ssyncadd.s32 @!p0 $0xFFFFC000  }
0x31: {  	[hbm4b:s10+s15] =	stream.linear.scatter @!p0 [tilespmem:s19], [sflag:$0x2], $0x4000, $0x38;
	[tilespmem:$0x8080] =	vst v63  }
0x32: {  	s13 =	sadd.s32 $0x20, s13;
	s10 =	smov.u32 s17;
	_ =	swait.ge @!p0 [sflag:s14], $0x4000  }
0x33: {  	s12 =	sadd.s32 $0x200, s12;
	p2 =	sgt.u32 s13, $0x4E1;
	[sflag:s14] =	ssyncset.done @!p0 $0x0  }
0x34: {  	s11 =	simm.s32 @!p2 $0x0;
	s13 =	simm.s32 @!p2 $0x3;
	[sflag:s14] =	ssyncadd.s32 @!p0 $0xFFFFC000  }
0x35: {  	[tilespmem:s11], [sflag:$0x3] =	stream.linear.gather @!p2 [hbm4b:s12+s11], $0x80, $0x38;
	[tilespmem:$0x8080] =	vst v63  }
0x36: {  	_ =	swait.ge @!p2 [sflag:s13], $0x80  }
0x37: {  	p0 =	por p2, p2;
	[sflag:s13] =	ssyncset.done @!p2 $0x0  }
0x38: {  	s12 =	simm.s32 @!p0 $0x80;
	s14 =	simm.s32 @!p0 $0x1;
	[sflag:s13] =	ssyncadd.s32 @!p0 $0xFFFFFF80  }
0x39: {  	[tilespmem:s12], [sflag:$0x1] =	stream.indirect.gather @!p0 [hbm4b:s1+s12], $0x80, s11, s12, $0xb8;
	[tilespmem:$0x8080] =	vst v63  }
0x3a: {  	_ =	swait.ge @!p0 [sflag:s14], $0x4000  }
0x3b: {  	[sflag:s14] =	ssyncset.done @!p0 $0x0  }
0x3c: {  	s15 =	simm.s32 @!p0 $0x4080;
	[sflag:s14] =	ssyncadd.s32 @!p0 $0xFFFFC000  }
0x3d: {  	[tilespmem:s15], [sflag:$0x1] =	stream.indirect.gather @!p0 [hbm4b:s2+s12], $0x80, s11, s12, $0xb8;
	[tilespmem:$0x8080] =	vst v63  }
0x3e: {  	_ =	swait.ge @!p0 [sflag:s14], $0x4000  }
0x3f: {  	[sflag:s14] =	ssyncset.done @!p0 $0x0  }
0x40: {  	[sflag:s14] =	ssyncadd.s32 @!p0 $0xFFFFC000;
	s14 =	sadd.s32 @!p0 s10, s9  }
0x41: {  	[hbm4b:s14+s11] =	stream.linear.scatter @!p0 [tilespmem:s12], [sflag:$0x3], $0x4000, $0x38;
	[tilespmem:$0x8080] =	vst v63  }
0x42: {  	s4 =	sadd.s32 $0x1, s4;
	_ =	swait.ge @!p0 [sflag:s13], $0x4000  }
0x43: {  	p1 =	sne.s32 s4, s6;
	s10 =	sadd.s32 @!p0 s10, s8;
	[sflag:s13] =	ssyncset.done @!p0 $0x0  }
.Ltmp1:
0x44: {  	s12 =	simm.s32 @!p0 $0x2;
	[sflag:s13] =	ssyncadd.s32 @!p0 $0xFFFFC000;
	(pc) =	sbr.rel @p1 .LBB2_1-.Ltmp1, $4  }
0x45: {  	[hbm4b:s10+s11] =	stream.linear.scatter @!p0 [tilespmem:s15], [sflag:$0x2], $0x4000, $0x38;
	[tilespmem:$0x8080] =	vst v63  }
0x46: {  	_ =	swait.ge @!p0 [sflag:s12], $0x4000  }
0x47: {  	[sflag:s12] =	ssyncset.done @!p0 $0x0  }
0x48: {  	[sflag:s12] =	ssyncadd.s32 @!p0 $0xFFFFC000  }
0x49: {  	_ =	sfence.sel $0x180000  }
0x4a: {  	[bflag:$0x0] =	sbarrier.arrive $0xFFFF  }
0x4b: {  	p0 =	sne.s32 s3, $0x0;
	_ =	strace $0x90000047  }
0x4c: {  	s0 =	sadd.s32 @!p0 $0x100000, s0;
	[bflag:$0x2] =	sbarrier.arrive $0xFFFF  }
0x4d: {  	[sflag:s0] =	ssyncadd.tile.s32 @!p0 $0x1;
	_ =	shalt  }
.Lfunc_end2:
_tile_overlayer_lowered:
.L_overlay_start_2:
0x4e: {  	(tag) =	ssettag $0x2  }
0x4f: {  	s0 =	rddreg [dreg:$0x0];
	s2 =	stileid.u32  }
0x50: {  	s1 =	rddreg [dreg:$0x1];
	p0 =	sne.s32 s2, $0x0  }
0x51: {  	s3 =	rddreg [dreg:$0x2];
	[bflag:$0x3] =	sbarrier.arrive $0xFFFF;
	s2 =	simm.s32 @!p0 $0x1C02  }
0x52: {  	[timem:s3], [sflag:s2] =	dma.local @!p0 [hbm:s0], s1  }
0x53: {  	s0 =	simm.s32 @!p0 $0x2  }
0x54: {  	_ =	swait.ge @!p0 [sflag:s0], s1  }
0x55: {  	s1 =	ssub.s32 @!p0 $0x0, s1;
	[sflag:s0] =	ssyncset.done @!p0 $0x0  }
0x56: {  	[sflag:s0] =	ssyncadd.s32 @!p0 s1  }
0x57: {  	[bflag:$0x3] =	sbarrier.arrive $0xFFFF  }
0x58: {  	_ =	shalt  }

// kernel: kernel.8.cloned.1.call-start
scs
__scs_entry_jumppad:
0x0: {  	(pc) =	sbr.rel $0x88, $3  }
0x1: {  	(tag) =	ssettag $0x0;
	lr =	simm.s32 $0x1  }
0x2: {  	[smem:$0x3F8C] =	sst lr;
	_ =	strace $0xD0000000  }
0x3: {  	_ = 	snop  }
0x4: {  	_ = 	snop  }
0x5: {  	_ = 	snop  }
0x6: {  	_ = 	snop  }
0x7: {  	_ = 	snop  }
__scs_overlays_trampoline_lowered:
0x8: {  	[smem:$0x3F9B] =	sst s0  }
0x9: {  	[smem:$0x3F9C] =	sst s1  }
0xa: {  	[smem:$0x3F9D] =	sst s2  }
0xb: {  	[smem:$0x3F9E] =	sst s3  }
0xc: {  	[smem:$0x3F9F] =	sst s4  }
0xd: {  	[smem:$0x3FA0] =	sst s5  }
0xe: {  	[smem:$0x3FA1] =	sst s6  }
0xf: {  	[smem:$0x3FA2] =	sst s7  }
0x10: {  	[smem:$0x3FA3] =	sst s8  }
0x11: {  	[smem:$0x3FA4] =	sst s9;
	s0 =	simm.s32 @!p0 $0x0  }
0x12: {  	s1 =	sld [smem:$0x3F8A];
	s0 =	simm.s32 @p0 $0x1  }
0x13: {  	[smem:$0x3FA5] =	sst s0;
	s0 =	simm.s32 @!p1 $0x0  }
0x14: {  	s2 =	sld [smem:$0x3F89];
	s0 =	simm.s32 @p1 $0x1  }
0x15: {  	[smem:$0x3FA6] =	sst s0;
	s0 =	simm.s32 @!p2 $0x0  }
0x16: {  	s3 =	sld [smem:$0x3FDB];
	s0 =	simm.s32 @p2 $0x1  }
0x17: {  	s4 =	simm.s32 $0x1BF5;
	[smem:$0x3FA8] =	sst s0  }
0x18: {  	s0 =	sld [smem:$0x3F8B];
	_ =	swait.ge [sflag:s4], $0x0  }
0x19: {  	s7 =	sld [smem:$0x3F8C]  }
0x1a: {  	s8 =	sadd.s32 $0xFFFFE003, lr  }
0x1b: {  	s9 =	sadd.s32 $0xFFFFFEF7, lr;
	s5 =	simm.s32 $0xFFFFFFFF;
	p2 =	slt.u32 s8, $0xFFFFF086  }
0x1c: {  	p1 =	slt.u32 s9, $0xF7A;
	s5 =	simm.s32 @!p2 $0x0  }
0x1d: {  	s5 =	simm.s32 @p1 $0x1;
	p0 =	seq.s32 s7, s2  }
0x1e: {  	s7 =	smul.u32 @!p0 $0xF7A, s2;
	p2 =	seq.s32 @!p0 s5, $0x0  }
0x1f: {  	s9 =	smul.u32 $0xF7A, s1;
	s8 =	simm.s32 @!p0 $0x1BF5;
	p2 =	por !p2, p0  }
0x20: {  	[sflag:s8] =	ssyncset.s32 @!p0 $0xFFFFF086;
	s6 =	sadd.s32 @!p0 s3, s7;
	s7 =	simm.s32 @!p0 $0x108  }
0x21: {  	s3 =	sadd.s32 s3, s9;
	s6 =	sadd.s32 @!p0 $0x88, s6;
	s7 =	simm.s32 @p2 $0x1082  }
0x22: {  	[simem:s7], [sflag:s8] =	dma.local @!p0 [hbm:s6], $0xF7A  }
0x23: {  	s9 =	sor.u32 $0xD0000000, s2;
	s6 =	simm.s32 $0x108;
	_ =	swait.ge @!p0 [sflag:s8], $0x0  }
0x24: {  	s3 =	sadd.s32 $0x88, s3;
	s6 =	simm.s32 @!p1 $0x1082;
	[sflag:s4] =	ssyncset.s32 $0xFFFFF086  }
0x25: {  	[simem:s6], [sflag:s4] =	dma.local [hbm:s3], $0xF7A  }
0x26: {  	[smem:$0x3F8C] =	sst s1;
	(tag) =	ssettag s2;
	_ =	strace s9  }
0x27: {  	s1 =	sld [smem:$0x3F9C]  }
0x28: {  	s2 =	sld [smem:$0x3F9D]  }
0x29: {  	s4 =	sld [smem:$0x3F9F]  }
0x2a: {  	p0 =	seq.s32 s5, $0x0;
	s5 =	sld [smem:$0x3FA0]  }
0x2b: {  	s6 =	sld [smem:$0x3FA1]  }
0x2c: {  	s7 =	sld [smem:$0x3FA2]  }
0x2d: {  	s3 =	simm.s32 $0x108;
	s8 =	sld [smem:$0x3FA3]  }
0x2e: {  	s3 =	simm.s32 @!p0 $0x1082;
	s9 =	sld [smem:$0x3FA4]  }
0x2f: {  	lr =	sadd.s32 s0, s3;
	s0 =	sld [smem:$0x3F9B]  }
0x30: {  	s3 =	sld [smem:$0x3F9E]  }
0x31: {  	[smem:$0x3FA7] =	sst s10  }
0x32: {  	s10 =	sld [smem:$0x3FA5];
	_ =	sdelay $0x3  }
0x33: {  	p0 =	seq.s32 s10, $0x1;
	s10 =	sld [smem:$0x3FA7];
	_ =	sdelay $0x3  }
0x34: {  	[smem:$0x3FA7] =	sst s10  }
0x35: {  	s10 =	sld [smem:$0x3FA6];
	_ =	sdelay $0x3  }
0x36: {  	p1 =	seq.s32 s10, $0x1;
	s10 =	sld [smem:$0x3FA7];
	_ =	sdelay $0x3  }
0x37: {  	[smem:$0x3FA7] =	sst s10  }
0x38: {  	s10 =	sld [smem:$0x3FA8]  }
0x39: {  	_ = 	snop;
	(pc) =	sbr.ind lr, $3  }
0x3a: {  	_ = 	snop  }
0x3b: {  	_ = 	snop  }
0x3c: {  	p2 =	seq.s32 s10, $0x1;
	s10 =	sld [smem:$0x3FA7]  }
0x3d: {  	_ =	shalt  }
0x3e: {  	_ =	shalt  }
0x3f: {  	_ =	shalt  }
0x40: {  	_ =	shalt  }
0x41: {  	_ =	shalt  }
0x42: {  	_ =	shalt  }
0x43: {  	_ =	shalt  }
0x44: {  	_ =	shalt  }
0x45: {  	_ =	shalt  }
0x46: {  	_ =	shalt  }
0x47: {  	_ =	shalt  }
0x48: {  	_ =	shalt  }
0x49: {  	_ =	shalt  }
0x4a: {  	_ =	shalt  }
0x4b: {  	_ =	shalt  }
0x4c: {  	_ =	shalt  }
0x4d: {  	_ =	shalt  }
0x4e: {  	_ =	shalt  }
0x4f: {  	_ =	shalt  }
0x50: {  	_ =	shalt  }
0x51: {  	_ =	shalt  }
0x52: {  	_ =	shalt  }
0x53: {  	_ =	shalt  }
0x54: {  	_ =	shalt  }
0x55: {  	_ =	shalt  }
0x56: {  	_ =	shalt  }
0x57: {  	_ =	shalt  }
0x58: {  	_ =	shalt  }
0x59: {  	_ =	shalt  }
0x5a: {  	_ =	shalt  }
0x5b: {  	_ =	shalt  }
0x5c: {  	_ =	shalt  }
0x5d: {  	_ =	shalt  }
0x5e: {  	_ =	shalt  }
0x5f: {  	_ =	shalt  }
0x60: {  	_ =	shalt  }
0x61: {  	_ =	shalt  }
0x62: {  	_ =	shalt  }
0x63: {  	_ =	shalt  }
0x64: {  	_ =	shalt  }
0x65: {  	_ =	shalt  }
0x66: {  	_ =	shalt  }
0x67: {  	_ =	shalt  }
0x68: {  	_ =	shalt  }
0x69: {  	_ =	shalt  }
0x6a: {  	_ =	shalt  }
0x6b: {  	_ =	shalt  }
0x6c: {  	_ =	shalt  }
0x6d: {  	_ =	shalt  }
0x6e: {  	_ =	shalt  }
0x6f: {  	_ =	shalt  }
0x70: {  	_ =	shalt  }
0x71: {  	_ =	shalt  }
0x72: {  	_ =	shalt  }
0x73: {  	_ =	shalt  }
0x74: {  	_ =	shalt  }
0x75: {  	_ =	shalt  }
0x76: {  	_ =	shalt  }
0x77: {  	_ =	shalt  }
0x78: {  	_ =	shalt  }
0x79: {  	_ =	shalt  }
0x7a: {  	_ =	shalt  }
0x7b: {  	_ =	shalt  }
0x7c: {  	_ =	shalt  }
0x7d: {  	_ =	shalt  }
0x7e: {  	_ =	shalt  }
0x7f: {  	_ =	shalt  }
0x80: {  	_ =	shalt  }
0x81: {  	_ =	shalt  }
0x82: {  	_ =	shalt  }
0x83: {  	_ =	shalt  }
0x84: {  	_ =	shalt  }
0x85: {  	_ =	shalt  }
0x86: {  	_ =	shalt  }
0x87: {  	_ =	shalt  }
.Lfunc_end0:
.L_simem_size_0:
called_computation_lowered:
.L_overlay_start_0:
0x88: {  	s2 =	sld [smem:$0x3FD9]  }
0x89: {  	s3 =	sld [smem:$0x3FFE];
	_ =	sdelay $0x1  }
0x8a: {  	s1 =	srdreg.scid  }
0x8b: {  	s0 =	sand.u32 $0x1, s1  }
0x8c: {  	s17 =	sshll.u32 s0, $0xA;
	s2 =	sadd.s32 s3, s2  }
0x8d: {  	s2 =	sadd.s32 s2, s17  }
0x8e: {  	[smem:$0x3FB3] =	sst s2  }
0x8f: {  	_ = 	snop  }
0x90: {  	s4 =	sld [smem:$0x3FC6]  }
0x91: {  	s18 =	sld [smem:$0x3FC3];
	(tm) =	ssettm $0x1  }
0x92: {  	s19 =	sld [smem:$0x3FFB];
	_ =	sdelay $0x3  }
0x93: {  	_ =	strace s19  }
0x94: {  	s2 =	sld [smem:$0x3FFC];
	_ =	sdelay $0x3  }
0x95: {  	_ =	strace s2  }
0x96: {  	s2 =	sld [smem:$0x3FFD];
	_ =	sdelay $0x3  }
0x97: {  	_ =	strace s2  }
0x98: {  	_ =	strace $0x8FFFFFFF  }
0x99: {  	s20 =	sld [smem:$0x3FDB];
	_ =	sdelay $0x1  }
0x9a: {  	s5 =	simm.s32 $_scs_section_size  }
0x9b: {  	s6 =	simm.s32 $_size__tile_overlayer_lowered;
	s7 =	simm.s32 $_tile_overlayer_lowered  }
0x9c: {  	s8 =	simm.s32 $0x1BFF;
	s21 =	sshll.u32 s7, $0x1;
	s5 =	sadd.s32 s5, s20  }
0x9d: {  	s22 =	simm.s32 $0x0;
	s6 =	sshll.u32 s6, $0x1;
	s7 =	sadd.s32 s21, s5  }
0x9e: {  	[timem:s22], [sflag:s8] =	dma.local [hbm:s7], s6  }
0x9f: {  	_ =	swait.ge [sflag:s8], s6  }
0xa0: {  	s6 =	ssub.s32 $0x0, s6;
	[sflag:s8] =	ssyncset.done $0x0  }
0xa1: {  	[sflag:s8] =	ssyncadd.s32 s6;
	_ =	sdelay $0x1  }
0xa2: {  	s23 =	simm.s32 $0x1B8B  }
0xa3: {  	_ =	swait.ge [sflag:s23], $0x1  }
0xa4: {  	[sflag:s23] =	ssyncset.done $0x0  }
0xa5: {  	[sflag:s23] =	ssyncadd.s32 $0xFFFFFFFF  }
0xa6: {  	s6 =	sld [smem:$0x0]  }
0xa7: {  	s7 =	sand.u32 $0xFFFFFFFE, s1  }
0xa8: {  	p0 =	sne.s32 s1, s7  }
0xa9: {  	s7 =	sshll.u32 @p0 s7, $0xE  }
0xaa: {  	s7 =	sadd.s32 @p0 $0x11B8D, s7;
	s8 =	sshll.u32 @p0 s6, $0x11  }
0xab: {  	s7 =	sor.u32 @p0 s8, s7  }
0xac: {  	[sflag:s7] =	ssyncadd.remote.s32 @p0 $0x1;
	_ =	sdelay $0x1  }
0xad: {  	s7 =	simm.s32 @p0 $0x1B8D  }
0xae: {  	_ =	swait.eq @p0 [sflag:s7], $0x1  }
0xaf: {  	[sflag:s7] =	ssyncadd.s32 @p0 $0xFFFFFFFF  }
0xb0: {  	s8 =	sshll.u32 @!p0 s1, $0xE  }
0xb1: {  	s8 =	sor.u32 @!p0 $0x4000, s8;
	s7 =	simm.s32 @!p0 $0x1B8D  }
0xb2: {  	s6 =	sshll.u32 @!p0 s6, $0x11;
	s8 =	sadd.s32 @!p0 $0x11B8D, s8;
	_ =	swait.eq @!p0 [sflag:s7], $0x1  }
0xb3: {  	s6 =	sor.u32 @!p0 s6, s8;
	[sflag:s7] =	ssyncadd.s32 @!p0 $0xFFFFFFFF  }
0xb4: {  	s25 =	simm.s32 $0x1B8E;
	s24 =	sld [smem:$0x3FFE];
	[sflag:s6] =	ssyncadd.remote.s32 @!p0 $0x1  }
0xb5: {  	s26 =	simm.s32 $execute0_lowered;
	[smem:$0x3FD2] =	sst s25  }
0xb6: {  	s7 =	sshll.u32 s26, $0x1;
	_ =	strace $0x80000049;
	[dreg:$0x1] =	wrdreg $0xFFFFFFFF  }
0xb7: {  	s28 =	simm.s32 $_size_execute0_lowered;
	s5 =	sadd.s32 s5, s7;
	[dreg:$0x0] =	wrdreg $0x0  }
0xb8: {  	s7 =	sshll.u32 s28, $0x1;
	[dreg:$0x2] =	wrdreg s5  }
0xb9: {  	[dreg:$0x3] =	wrdreg s7  }
0xba: {  	[dreg:$0x4] =	wrdreg $0xC0  }
0xbb: {  	_ =	task [dreg:s22], $0x5FFFF  }
0xbc: {  	[dreg:$0x1] =	wrdreg $0xFFFFFFFF  }
0xbd: {  	[dreg:$0x0] =	wrdreg $0x60  }
0xbe: {  	[dreg:$0x2] =	wrdreg s4  }
0xbf: {  	[dreg:$0x3] =	wrdreg s24  }
0xc0: {  	[dreg:$0x4] =	wrdreg s18  }
0xc1: {  	[dreg:$0x5] =	wrdreg $0x9  }
0xc2: {  	_ =	task.clear_ibuf [dreg:s22], $0x6FFFF;
	_ =	strace $0x90000049  }
0xc3: {  	s29 =	simm.s32 $0x9;
	_ =	strace $0x8000004B  }
0xc4: {  	_ =	swait.ge [sflag:s29], $0x1  }
0xc5: {  	[sflag:s29] =	ssyncadd.s32 $0xFFFFFFFF  }
0xc6: {  	_ =	strace $0x9000004B  }
0xc7: {  	_ =	sfence  }
0xc8: {  	s30 =	sld [smem:$0x0];
	_ =	sdelay $0x2  }
0xc9: {  	s31 =	sshll.u32 s1, $0xD;
	s1 =	sshrl.u32 s1, $0x2  }
0xca: {  	s4 =	sand.u32 $0x4000, s31;
	s1 =	sadd.s32 s1, s30  }
0xcb: {  	s0 =	sor.u32 s4, s0;
	s1 =	sshll.u32 s1, $0x11  }
0xcc: {  	s0 =	sor.u32 s1, s0  }
0xcd: {  	s0 =	sadd.s32 $0x8F2B, s0  }
0xce: {  	[sflag:s0] =	ssyncadd.remote.s32 $0x1  }
0xcf: {  	_ =	sfence.sel $0xFFFF  }
0xd0: {  	[dreg:$0x0] =	wrdreg $0xFFFFFFFF;
	(pc) =	sbr.abs _section_cstart, $3  }
0xd1: {  	[dreg:$0x1] =	wrdreg $0xFFFFFFFF  }
0xd2: {  	_ =	task.clear_ibuf [dreg:s22], $0x2FFFF;
	_ =	strace $0x9FFFFFFF  }
0xd3: {  	(tm) =	ssettm $0x7FFFFFFF  }
tec
execute0_lowered:
.L_overlay_start_1:
0x0: {  	(tag) =	ssettag $0x1  }
0x1: {  	s1 =	rddreg [dreg:$0x0]  }
0x2: {  	s5 =	rddreg [dreg:$0x1]  }
0x3: {  	s6 =	rddreg [dreg:$0x2]  }
0x4: {  	s0 =	rddreg [dreg:$0x3];
	s2 =	simm.s32 $0x0;
	s3 =	srdreg.scid  }
0x5: {  	[smem:$0x7FF] =	sst s2;
	s7 =	sand.u32 $0x1, s3  }
0x6: {  	s3 =	stileid.u32;
	s4 =	sadd.s32 $0x5A5600, s5;
	_ =	strace $0x8000004A  }
0x7: {  	s8 =	ssub.s32 $0x2, s7;
	s9 =	sshll.u32 s3, $0xC;
	s31 =	sshll.u32 s3, $0x5  }
0x8: {  	s11 =	sshll.u32 s7, $0xB;
	s7 =	sshll.u32 s7, $0x4;
	s10 =	sshrl.u32 s8, $0x1  }
0x9: {  	s9 =	sadd.s32 s9, s5;
	s5 =	sshll.u32 s3, $0x1;
	s8 =	ssub.s32 s8, s10  }
0xa: {  	s10 =	sadd.s32 s31, s6;
	s9 =	sadd.s32 s11, s9;
	s6 =	smax.u32 s8, $0x1  }
0xb: {  	s7 =	sadd.s32 s7, s10;
	s8 =	sadd.s32 $0x8D9C00, s9;
	s9 =	sadd.s32 $0x668C00, s9  }
.LBB2_1:
0xc: {  	p0 =	sgt.u32 s5, $0x4E1  }
0xd: {  	s11 =	simm.s32 @!p0 $0x0;
	s12 =	simm.s32 @!p0 $0x3  }
0xe: {  	[tilespmem:s11], [sflag:$0x3] =	stream.linear.gather @!p0 [hbm4b:s7+s11], $0x80, $0x38;
	[tilespmem:$0x8080] =	vst v63  }
0xf: {  	_ =	swait.ge @!p0 [sflag:s12], $0x80  }
0x10: {  	[sflag:s12] =	ssyncset.done @!p0 $0x0;
	p0 =	por p0, p0  }
0x11: {  	[sflag:s12] =	ssyncadd.s32 @!p0 $0xFFFFFF80;
	s10 =	simm.s32 @!p0 $0x80;
	s13 =	simm.s32 @!p0 $0x1  }
0x12: {  	[tilespmem:s10], [sflag:$0x1] =	stream.indirect.gather @!p0 [hbm4b:s1+s10], $0x80, s11, s10, $0xb8;
	[tilespmem:$0x8080] =	vst v63  }
0x13: {  	_ =	swait.ge @!p0 [sflag:s13], $0x4000  }
0x14: {  	[sflag:s13] =	ssyncset.done @!p0 $0x0  }
0x15: {  	s15 =	simm.s32 @!p0 $0x4080;
	[sflag:s13] =	ssyncadd.s32 @!p0 $0xFFFFC000  }
0x16: {  	[tilespmem:s15], [sflag:$0x1] =	stream.indirect.gather @!p0 [hbm4b:s4+s10], $0x80, s11, s10, $0xb8;
	[tilespmem:$0x8080] =	vst v63  }
0x17: {  	_ =	swait.ge @!p0 [sflag:s13], $0x4000  }
0x18: {  	[sflag:s13] =	ssyncset.done @!p0 $0x0  }
0x19: {  	[sflag:s13] =	ssyncadd.s32 @!p0 $0xFFFFC000;
	s13 =	sadd.s32 @!p0 $0x0, s9  }
0x1a: {  	[hbm4b:s13+s11] =	stream.linear.scatter @!p0 [tilespmem:s10], [sflag:$0x3], $0x4000, $0x38;
	[tilespmem:$0x8080] =	vst v63  }
0x1b: {  	_ =	swait.ge @!p0 [sflag:s12], $0x4000  }
0x1c: {  	s14 =	simm.s32 @!p0 $0x2;
	[sflag:s12] =	ssyncset.done @!p0 $0x0  }
0x1d: {  	s13 =	sadd.s32 $0x20, s5;
	[sflag:s12] =	ssyncadd.s32 @!p0 $0xFFFFC000;
	s12 =	sadd.s32 @!p0 $0x0, s8  }
0x1e: {  	[hbm4b:s12+s11] =	stream.linear.scatter @!p0 [tilespmem:s15], [sflag:$0x2], $0x4000, $0x38;
	[tilespmem:$0x8080] =	vst v63  }
0x1f: {  	s10 =	simm.s32 $0x10000;
	p2 =	sgt.u32 s13, $0x4E1;
	_ =	swait.ge @!p0 [sflag:s14], $0x4000  }
0x20: {  	s11 =	simm.s32 $0x20000;
	s12 =	sadd.s32 $0x200, s7;
	[sflag:s14] =	ssyncset.done @!p0 $0x0  }
.LBB2_2:
0x21: {  	s15 =	simm.s32 @!p2 $0x0;
	s16 =	simm.s32 @!p2 $0x3;
	[sflag:s14] =	ssyncadd.s32 @!p0 $0xFFFFC000  }
0x22: {  	[tilespmem:s15], [sflag:$0x3] =	stream.linear.gather @!p2 [hbm4b:s12+s15], $0x80, $0x38;
	[tilespmem:$0x8080] =	vst v63  }
0x23: {  	s17 =	smov.u32 s11;
	s11 =	sadd.s32 $0x10000, s11;
	_ =	swait.ge @!p2 [sflag:s16], $0x80  }
0x24: {  	p0 =	por p2, p2;
	p1 =	sne.s32 s11, $0x280000;
	[sflag:s16] =	ssyncset.done @!p2 $0x0  }
0x25: {  	s14 =	simm.s32 @!p0 $0x80;
	s18 =	simm.s32 @!p0 $0x1;
	[sflag:s16] =	ssyncadd.s32 @!p0 $0xFFFFFF80  }
0x26: {  	[tilespmem:s14], [sflag:$0x1] =	stream.indirect.gather @!p0 [hbm4b:s1+s14], $0x80, s15, s14, $0xb8;
	[tilespmem:$0x8080] =	vst v63  }
0x27: {  	_ =	swait.ge @!p0 [sflag:s18], $0x4000  }
0x28: {  	[sflag:s18] =	ssyncset.done @!p0 $0x0  }
0x29: {  	s19 =	simm.s32 @!p0 $0x4080;
	[sflag:s18] =	ssyncadd.s32 @!p0 $0xFFFFC000  }
0x2a: {  	[tilespmem:s19], [sflag:$0x1] =	stream.indirect.gather @!p0 [hbm4b:s4+s14], $0x80, s15, s14, $0xb8;
	[tilespmem:$0x8080] =	vst v63  }
0x2b: {  	_ =	swait.ge @!p0 [sflag:s18], $0x4000  }
0x2c: {  	[sflag:s18] =	ssyncset.done @!p0 $0x0  }
0x2d: {  	[sflag:s18] =	ssyncadd.s32 @!p0 $0xFFFFC000;
	s18 =	sadd.s32 @!p0 s10, s9  }
0x2e: {  	[hbm4b:s18+s15] =	stream.linear.scatter @!p0 [tilespmem:s14], [sflag:$0x3], $0x4000, $0x38;
	[tilespmem:$0x8080] =	vst v63  }
0x2f: {  	_ =	swait.ge @!p0 [sflag:s16], $0x4000  }
.Ltmp0:
0x30: {  	[sflag:s16] =	ssyncset.done @!p0 $0x0;
	(pc) =	sbr.rel @p1 .LBB2_2-.Ltmp0, $4  }
0x31: {  	s10 =	sadd.s32 @!p0 s10, s8;
	s14 =	simm.s32 @!p0 $0x2;
	[sflag:s16] =	ssyncadd.s32 @!p0 $0xFFFFC000  }
0x32: {  	[hbm4b:s10+s15] =	stream.linear.scatter @!p0 [tilespmem:s19], [sflag:$0x2], $0x4000, $0x38;
	[tilespmem:$0x8080] =	vst v63  }
0x33: {  	s13 =	sadd.s32 $0x20, s13;
	s10 =	smov.u32 s17;
	_ =	swait.ge @!p0 [sflag:s14], $0x4000  }
0x34: {  	s12 =	sadd.s32 $0x200, s12;
	p2 =	sgt.u32 s13, $0x4E1;
	[sflag:s14] =	ssyncset.done @!p0 $0x0  }
0x35: {  	s11 =	simm.s32 @!p2 $0x0;
	s13 =	simm.s32 @!p2 $0x3;
	[sflag:s14] =	ssyncadd.s32 @!p0 $0xFFFFC000  }
0x36: {  	[tilespmem:s11], [sflag:$0x3] =	stream.linear.gather @!p2 [hbm4b:s12+s11], $0x80, $0x38;
	[tilespmem:$0x8080] =	vst v63  }
0x37: {  	_ =	swait.ge @!p2 [sflag:s13], $0x80  }
0x38: {  	p0 =	por p2, p2;
	[sflag:s13] =	ssyncset.done @!p2 $0x0  }
0x39: {  	s12 =	simm.s32 @!p0 $0x80;
	s14 =	simm.s32 @!p0 $0x1;
	[sflag:s13] =	ssyncadd.s32 @!p0 $0xFFFFFF80  }
0x3a: {  	[tilespmem:s12], [sflag:$0x1] =	stream.indirect.gather @!p0 [hbm4b:s1+s12], $0x80, s11, s12, $0xb8;
	[tilespmem:$0x8080] =	vst v63  }
0x3b: {  	_ =	swait.ge @!p0 [sflag:s14], $0x4000  }
0x3c: {  	[sflag:s14] =	ssyncset.done @!p0 $0x0  }
0x3d: {  	s15 =	simm.s32 @!p0 $0x4080;
	[sflag:s14] =	ssyncadd.s32 @!p0 $0xFFFFC000  }
0x3e: {  	[tilespmem:s15], [sflag:$0x1] =	stream.indirect.gather @!p0 [hbm4b:s4+s12], $0x80, s11, s12, $0xb8;
	[tilespmem:$0x8080] =	vst v63  }
0x3f: {  	_ =	swait.ge @!p0 [sflag:s14], $0x4000  }
0x40: {  	[sflag:s14] =	ssyncset.done @!p0 $0x0  }
0x41: {  	[sflag:s14] =	ssyncadd.s32 @!p0 $0xFFFFC000;
	s14 =	sadd.s32 @!p0 s10, s9  }
0x42: {  	[hbm4b:s14+s11] =	stream.linear.scatter @!p0 [tilespmem:s12], [sflag:$0x3], $0x4000, $0x38;
	[tilespmem:$0x8080] =	vst v63  }
0x43: {  	s2 =	sadd.s32 $0x1, s2;
	_ =	swait.ge @!p0 [sflag:s13], $0x4000  }
0x44: {  	p1 =	sne.s32 s2, s6;
	s10 =	sadd.s32 @!p0 s10, s8;
	[sflag:s13] =	ssyncset.done @!p0 $0x0  }
.Ltmp1:
0x45: {  	s12 =	simm.s32 @!p0 $0x2;
	[sflag:s13] =	ssyncadd.s32 @!p0 $0xFFFFC000;
	(pc) =	sbr.rel @p1 .LBB2_1-.Ltmp1, $4  }
0x46: {  	[hbm4b:s10+s11] =	stream.linear.scatter @!p0 [tilespmem:s15], [sflag:$0x2], $0x4000, $0x38;
	[tilespmem:$0x8080] =	vst v63  }
0x47: {  	_ =	swait.ge @!p0 [sflag:s12], $0x4000  }
0x48: {  	[sflag:s12] =	ssyncset.done @!p0 $0x0  }
0x49: {  	[sflag:s12] =	ssyncadd.s32 @!p0 $0xFFFFC000  }
0x4a: {  	_ =	sfence.sel $0x180000  }
0x4b: {  	[bflag:$0x0] =	sbarrier.arrive $0xFFFF  }
0x4c: {  	p0 =	sne.s32 s3, $0x0;
	_ =	strace $0x9000004A  }
0x4d: {  	s0 =	sadd.s32 @!p0 $0x100000, s0;
	[bflag:$0x2] =	sbarrier.arrive $0xFFFF  }
0x4e: {  	[sflag:s0] =	ssyncadd.tile.s32 @!p0 $0x1;
	_ =	shalt  }
.Lfunc_end2:
_tile_overlayer_lowered:
.L_overlay_start_2:
0x4f: {  	(tag) =	ssettag $0x2  }
0x50: {  	s0 =	rddreg [dreg:$0x0];
	s2 =	stileid.u32  }
0x51: {  	s1 =	rddreg [dreg:$0x1];
	p0 =	sne.s32 s2, $0x0  }
0x52: {  	s3 =	rddreg [dreg:$0x2];
	[bflag:$0x3] =	sbarrier.arrive $0xFFFF;
	s2 =	simm.s32 @!p0 $0x1C02  }
0x53: {  	[timem:s3], [sflag:s2] =	dma.local @!p0 [hbm:s0], s1  }
0x54: {  	s0 =	simm.s32 @!p0 $0x2  }
0x55: {  	_ =	swait.ge @!p0 [sflag:s0], s1  }
0x56: {  	s1 =	ssub.s32 @!p0 $0x0, s1;
	[sflag:s0] =	ssyncset.done @!p0 $0x0  }
0x57: {  	[sflag:s0] =	ssyncadd.s32 @!p0 s1  }
0x58: {  	[bflag:$0x3] =	sbarrier.arrive $0xFFFF  }
0x59: {  	_ =	shalt  }

</sc_bundles>
